<compile_context>
chip_gen: v7x
topology: tpu7x:2x2x1
jax: 0.10.2.dev20260603
libtpu: 0.0.44.dev20260713+nightly
codegen_flags: <defaults>
</compile_context>

<pallas_src>
import functools

import jax
import jax.numpy as jnp
from jax import lax
from jax.experimental import pallas as pl
from jax.experimental.pallas import tpu as pltpu
from jax.experimental.pallas import tpu_sc as plsc

_IW = 128
_G = 5


@functools.partial(jax.jit, static_argnums=(2, 3))
def _gather_rows(idx_grp, table, n_groups, d):
    mesh = plsc.VectorSubcoreMesh(core_axis_name="c", subcore_axis_name="s")
    info = plsc.get_sparse_core_info()
    nc, ns = info.num_cores, info.num_subcores
    nw = nc * ns
    grp_per_w = n_groups // nw
    n_chunks = grp_per_w // _G
    assert n_groups % nw == 0 and grp_per_w % _G == 0 and n_chunks % 2 == 0
    half = n_chunks // 2

    @functools.partial(
        pl.kernel,
        mesh=mesh,
        compiler_params=pltpu.CompilerParams(use_tc_tiling_on_sc=False),
        out_type=jax.ShapeDtypeStruct((n_groups, _IW, 2 * d), jnp.float32),
        scratch_types=[
            pltpu.VMEM((grp_per_w, _IW), jnp.int32),
            pltpu.VMEM((2, _G, _IW, d), jnp.float32),
            pltpu.SemaphoreType.DMA,
            pltpu.SemaphoreType.DMA,
        ],
    )
    def k(idx_hbm, table_hbm, out_hbm, idx_v, rows_v, gsem, osem):
        wid = lax.axis_index("s") * nc + lax.axis_index("c")
        base = wid * grp_per_w
        pltpu.sync_copy(idx_hbm.at[pl.ds(base, grp_per_w)], idx_v)

        def gather_chunk(c, slot):
            for j in range(_G):
                pltpu.async_copy(
                    table_hbm.at[idx_v.at[c * _G + j]], rows_v.at[slot, j], gsem
                )

        def wait_gathers(slot):
            pltpu.make_async_copy(
                out_hbm.at[pl.ds(0, _G), :, pl.ds(0, d)], rows_v.at[slot], gsem
            ).wait()

        def start_out(c, slot):
            pltpu.async_copy(
                rows_v.at[slot],
                out_hbm.at[pl.ds(base + c * _G, _G), :, pl.ds(0, d)],
                osem,
            )

        def wait_out(slot):
            pltpu.make_async_copy(
                rows_v.at[slot], out_hbm.at[pl.ds(0, _G), :, pl.ds(0, d)], osem
            ).wait()

        gather_chunk(0, 0)

        def body(t, carry):
            c0 = 2 * t

            @pl.when(t > 0)
            def _():
                wait_out(1)

            gather_chunk(c0 + 1, 1)
            wait_gathers(0)
            start_out(c0, 0)

            wait_out(0)

            @pl.when(t < half - 1)
            def _():
                gather_chunk(c0 + 2, 0)

            wait_gathers(1)
            start_out(c0 + 1, 1)
            return carry

        lax.fori_loop(0, half, body, 0)
        wait_out(1)

    return k(idx_grp, table)


def kernel(sequence, table):
    b, l = sequence.shape
    v, d = table.shape
    n = b * l
    idx_grp = jnp.transpose(sequence).reshape(n // _IW, _IW)
    padded = _gather_rows(idx_grp, table, n // _IW, d)
    return padded[:, :, :d].reshape(l, b, d)

# --- scband reference (transcript-rebuilt; emitter-appended) ---
"""Pipeline reference for scband-protein-embedding-42314017800945 (READ-ONLY COPY).

The authoritative reference and input builder live on the scoring server;
editing this copy changes nothing except your own understanding.
"""

import jax, jax.numpy as jnp
import numpy as np

VOCAB = 100000
EMBED_DIM = 64
B = 4096
L = 200

def setup_inputs(seed: int = 0) -> dict:
    key = jax.random.key(seed)
    k1, k2 = jax.random.split(key)
    sequence = jax.random.randint(k1, (B, L), 0, VOCAB, dtype=jnp.int64 if jax.config.jax_enable_x64 else jnp.int32)
    table = jax.random.normal(k2, (VOCAB, EMBED_DIM), dtype=jnp.float32)
    return {"sequence": sequence, "table": table}

def reference(sequence, table):
    # nn.Embedding lookup
    embedded_sequence = jnp.take(table, sequence, axis=0)  # [B, L, D]
    # transpose(0, 1)
    embedded_sequence = jnp.transpose(embedded_sequence, (1, 0, 2))  # [L, B, D]
    return embedded_sequence

if __name__ == "__main__":
    import jax
    _d = setup_inputs()
    print(jax.jit(kernel)(*tuple(_d.values())))

</pallas_src>

<mosaic_0001>
#map = affine_map<(d0, d1) -> (0, 0)>
#map1 = affine_map<(d0, d1) -> (0, 0, 0)>
module attributes {stable_mosaic.version = 14 : i64} {
  func.func @k(%arg0: i32, %arg1: i32, %arg2: memref<6400x128xi32, #tpu.memory_space<hbm>>, %arg3: memref<100000x64xf32, #tpu.memory_space<hbm>>, %arg4: memref<6400x128x128xf32, #tpu.memory_space<hbm>>, %arg5: memref<200x128xi32, #tpu.memory_space<vmem>>, %arg6: memref<2x5x128x64xf32, #tpu.memory_space<vmem>>, %arg7: memref<!tpu.dma_semaphore, #tpu.memory_space<semaphore_mem>>, %arg8: memref<!tpu.dma_semaphore, #tpu.memory_space<semaphore_mem>>) attributes {dimension_semantics = [#tpu.dimension_semantics<core_parallel>, #tpu.dimension_semantics<subcore_parallel>], iteration_bounds = array<i64: 2, 16>, scalar_prefetch = 0 : i64, scratch_operands = 4 : i64, tpu.core_type = #tpu.core_type<sc_vector_subcore>, window_params = [{transform_indices = #map}, {transform_indices = #map}, {transform_indices = #map1}]} {
    %mul3A = arith.constant 2 : i32
    %mul3A_0 = arith.muli %arg1, %mul3A : i32
    %add3A = arith.addi %mul3A_0, %arg0 : i32
    %mul3A_1 = arith.constant 200 : i32
    %mul3A_2 = arith.muli %add3A, %mul3A_1 : i32
    "tpu.region"() ({
      %run_scoped3A = tpu.sem_alloc : memref<!tpu.dma_semaphore, #tpu.memory_space<semaphore_mem>>
      %dma_start3A_90 = arith.constant 0 : i32
      %dma_start3A_91 = tpu.memref_slice %arg2[%mul3A_2, %dma_start3A_90] : memref<6400x128xi32, #tpu.memory_space<hbm>> -> memref<200x128xi32, #tpu.memory_space<hbm>>
      %dma_start3A_92 = arith.constant 0 : i32
      %dma_start3A_93 = tpu.memref_slice %arg2[%mul3A_2, %dma_start3A_92] : memref<6400x128xi32, #tpu.memory_space<hbm>> -> memref<200x128xi32, #tpu.memory_space<hbm>>
      tpu.enqueue_dma source(%dma_start3A_93 : memref<200x128xi32, #tpu.memory_space<hbm>>) target(%arg5 : memref<200x128xi32, #tpu.memory_space<vmem>>) target_semaphore(%run_scoped3A : memref<!tpu.dma_semaphore, #tpu.memory_space<semaphore_mem>>)
      %dma_wait3A_94 = arith.constant 0 : i32
      %dma_wait3A_95 = tpu.memref_slice %arg2[%mul3A_2, %dma_wait3A_94] : memref<6400x128xi32, #tpu.memory_space<hbm>> -> memref<200x128xi32, #tpu.memory_space<hbm>>
      %dma_wait3A_96 = arith.constant 0 : i32
      %dma_wait3A_97 = tpu.memref_slice %arg2[%mul3A_2, %dma_wait3A_96] : memref<6400x128xi32, #tpu.memory_space<hbm>> -> memref<200x128xi32, #tpu.memory_space<hbm>>
      tpu.wait_dma2 semaphore(%run_scoped3A : memref<!tpu.dma_semaphore, #tpu.memory_space<semaphore_mem>>) src(%dma_wait3A_97 : memref<200x128xi32, #tpu.memory_space<hbm>>) dst(%arg5 : memref<200x128xi32, #tpu.memory_space<vmem>>)
      tpu.yield
    }) : () -> ()
    %dma_start3A = arith.constant 0 : i32
    %dma_start3A_3 = arith.constant 0 : i32
    %dma_start3A_4 = arith.constant 0 : i32
    %dma_start3A_5 = arith.constant 0 : i32
    %dma_start3A_6 = arith.constant 0 : i32
    %dma_start3A_7 = tpu.memref_slice %arg6[%dma_start3A_3, %dma_start3A_4, %dma_start3A_5, %dma_start3A_6] : memref<2x5x128x64xf32, #tpu.memory_space<vmem>> -> memref<1x1x128x64xf32, #tpu.memory_space<vmem>>
    %dma_start3A_8 = tpu.memref_squeeze %dma_start3A_7 : memref<1x1x128x64xf32, #tpu.memory_space<vmem>> -> memref<128x64xf32, #tpu.memory_space<vmem>>
    %dma_start3A_9 = arith.constant 0 : i32
    %dma_start3A_10 = tpu.memref_slice %arg5[%dma_start3A, %dma_start3A_9] : memref<200x128xi32, #tpu.memory_space<vmem>> -> memref<1x128xi32, #tpu.memory_space<vmem>>
    %dma_start3A_11 = tpu.memref_squeeze %dma_start3A_10 : memref<1x128xi32, #tpu.memory_space<vmem>> -> memref<128xi32, #tpu.memory_space<vmem>>
    %dma_start3A_12 = arith.constant 0 : i32
    %dma_start3A_13 = arith.constant 0 : i32
    %dma_start3A_14 = tpu.memref_slice %arg3[%dma_start3A_12, %dma_start3A_13] : memref<100000x64xf32, #tpu.memory_space<hbm>> -> memref<100000x64xf32, #tpu.memory_space<hbm>>
    tpu.enqueue_indirect_dma source(%dma_start3A_14 : memref<100000x64xf32, #tpu.memory_space<hbm>>) target(%dma_start3A_8 : memref<128x64xf32, #tpu.memory_space<vmem>>) offsets(%dma_start3A_11 : memref<128xi32, #tpu.memory_space<vmem>>) semaphore(%arg7 : memref<!tpu.dma_semaphore, #tpu.memory_space<semaphore_mem>>)
    %dma_start3A_15 = arith.constant 1 : i32
    %dma_start3A_16 = arith.constant 0 : i32
    %dma_start3A_17 = arith.constant 1 : i32
    %dma_start3A_18 = arith.constant 0 : i32
    %dma_start3A_19 = arith.constant 0 : i32
    %dma_start3A_20 = tpu.memref_slice %arg6[%dma_start3A_16, %dma_start3A_17, %dma_start3A_18, %dma_start3A_19] : memref<2x5x128x64xf32, #tpu.memory_space<vmem>> -> memref<1x1x128x64xf32, #tpu.memory_space<vmem>>
    %dma_start3A_21 = tpu.memref_squeeze %dma_start3A_20 : memref<1x1x128x64xf32, #tpu.memory_space<vmem>> -> memref<128x64xf32, #tpu.memory_space<vmem>>
    %dma_start3A_22 = arith.constant 0 : i32
    %dma_start3A_23 = tpu.memref_slice %arg5[%dma_start3A_15, %dma_start3A_22] : memref<200x128xi32, #tpu.memory_space<vmem>> -> memref<1x128xi32, #tpu.memory_space<vmem>>
    %dma_start3A_24 = tpu.memref_squeeze %dma_start3A_23 : memref<1x128xi32, #tpu.memory_space<vmem>> -> memref<128xi32, #tpu.memory_space<vmem>>
    %dma_start3A_25 = arith.constant 0 : i32
    %dma_start3A_26 = arith.constant 0 : i32
    %dma_start3A_27 = tpu.memref_slice %arg3[%dma_start3A_25, %dma_start3A_26] : memref<100000x64xf32, #tpu.memory_space<hbm>> -> memref<100000x64xf32, #tpu.memory_space<hbm>>
    tpu.enqueue_indirect_dma source(%dma_start3A_27 : memref<100000x64xf32, #tpu.memory_space<hbm>>) target(%dma_start3A_21 : memref<128x64xf32, #tpu.memory_space<vmem>>) offsets(%dma_start3A_24 : memref<128xi32, #tpu.memory_space<vmem>>) semaphore(%arg7 : memref<!tpu.dma_semaphore, #tpu.memory_space<semaphore_mem>>)
    %dma_start3A_28 = arith.constant 2 : i32
    %dma_start3A_29 = arith.constant 0 : i32
    %dma_start3A_30 = arith.constant 2 : i32
    %dma_start3A_31 = arith.constant 0 : i32
    %dma_start3A_32 = arith.constant 0 : i32
    %dma_start3A_33 = tpu.memref_slice %arg6[%dma_start3A_29, %dma_start3A_30, %dma_start3A_31, %dma_start3A_32] : memref<2x5x128x64xf32, #tpu.memory_space<vmem>> -> memref<1x1x128x64xf32, #tpu.memory_space<vmem>>
    %dma_start3A_34 = tpu.memref_squeeze %dma_start3A_33 : memref<1x1x128x64xf32, #tpu.memory_space<vmem>> -> memref<128x64xf32, #tpu.memory_space<vmem>>
    %dma_start3A_35 = arith.constant 0 : i32
    %dma_start3A_36 = tpu.memref_slice %arg5[%dma_start3A_28, %dma_start3A_35] : memref<200x128xi32, #tpu.memory_space<vmem>> -> memref<1x128xi32, #tpu.memory_space<vmem>>
    %dma_start3A_37 = tpu.memref_squeeze %dma_start3A_36 : memref<1x128xi32, #tpu.memory_space<vmem>> -> memref<128xi32, #tpu.memory_space<vmem>>
    %dma_start3A_38 = arith.constant 0 : i32
    %dma_start3A_39 = arith.constant 0 : i32
    %dma_start3A_40 = tpu.memref_slice %arg3[%dma_start3A_38, %dma_start3A_39] : memref<100000x64xf32, #tpu.memory_space<hbm>> -> memref<100000x64xf32, #tpu.memory_space<hbm>>
    tpu.enqueue_indirect_dma source(%dma_start3A_40 : memref<100000x64xf32, #tpu.memory_space<hbm>>) target(%dma_start3A_34 : memref<128x64xf32, #tpu.memory_space<vmem>>) offsets(%dma_start3A_37 : memref<128xi32, #tpu.memory_space<vmem>>) semaphore(%arg7 : memref<!tpu.dma_semaphore, #tpu.memory_space<semaphore_mem>>)
    %dma_start3A_41 = arith.constant 3 : i32
    %dma_start3A_42 = arith.constant 0 : i32
    %dma_start3A_43 = arith.constant 3 : i32
    %dma_start3A_44 = arith.constant 0 : i32
    %dma_start3A_45 = arith.constant 0 : i32
    %dma_start3A_46 = tpu.memref_slice %arg6[%dma_start3A_42, %dma_start3A_43, %dma_start3A_44, %dma_start3A_45] : memref<2x5x128x64xf32, #tpu.memory_space<vmem>> -> memref<1x1x128x64xf32, #tpu.memory_space<vmem>>
    %dma_start3A_47 = tpu.memref_squeeze %dma_start3A_46 : memref<1x1x128x64xf32, #tpu.memory_space<vmem>> -> memref<128x64xf32, #tpu.memory_space<vmem>>
    %dma_start3A_48 = arith.constant 0 : i32
    %dma_start3A_49 = tpu.memref_slice %arg5[%dma_start3A_41, %dma_start3A_48] : memref<200x128xi32, #tpu.memory_space<vmem>> -> memref<1x128xi32, #tpu.memory_space<vmem>>
    %dma_start3A_50 = tpu.memref_squeeze %dma_start3A_49 : memref<1x128xi32, #tpu.memory_space<vmem>> -> memref<128xi32, #tpu.memory_space<vmem>>
    %dma_start3A_51 = arith.constant 0 : i32
    %dma_start3A_52 = arith.constant 0 : i32
    %dma_start3A_53 = tpu.memref_slice %arg3[%dma_start3A_51, %dma_start3A_52] : memref<100000x64xf32, #tpu.memory_space<hbm>> -> memref<100000x64xf32, #tpu.memory_space<hbm>>
    tpu.enqueue_indirect_dma source(%dma_start3A_53 : memref<100000x64xf32, #tpu.memory_space<hbm>>) target(%dma_start3A_47 : memref<128x64xf32, #tpu.memory_space<vmem>>) offsets(%dma_start3A_50 : memref<128xi32, #tpu.memory_space<vmem>>) semaphore(%arg7 : memref<!tpu.dma_semaphore, #tpu.memory_space<semaphore_mem>>)
    %dma_start3A_54 = arith.constant 4 : i32
    %dma_start3A_55 = arith.constant 0 : i32
    %dma_start3A_56 = arith.constant 4 : i32
    %dma_start3A_57 = arith.constant 0 : i32
    %dma_start3A_58 = arith.constant 0 : i32
    %dma_start3A_59 = tpu.memref_slice %arg6[%dma_start3A_55, %dma_start3A_56, %dma_start3A_57, %dma_start3A_58] : memref<2x5x128x64xf32, #tpu.memory_space<vmem>> -> memref<1x1x128x64xf32, #tpu.memory_space<vmem>>
    %dma_start3A_60 = tpu.memref_squeeze %dma_start3A_59 : memref<1x1x128x64xf32, #tpu.memory_space<vmem>> -> memref<128x64xf32, #tpu.memory_space<vmem>>
    %dma_start3A_61 = arith.constant 0 : i32
    %dma_start3A_62 = tpu.memref_slice %arg5[%dma_start3A_54, %dma_start3A_61] : memref<200x128xi32, #tpu.memory_space<vmem>> -> memref<1x128xi32, #tpu.memory_space<vmem>>
    %dma_start3A_63 = tpu.memref_squeeze %dma_start3A_62 : memref<1x128xi32, #tpu.memory_space<vmem>> -> memref<128xi32, #tpu.memory_space<vmem>>
    %dma_start3A_64 = arith.constant 0 : i32
    %dma_start3A_65 = arith.constant 0 : i32
    %dma_start3A_66 = tpu.memref_slice %arg3[%dma_start3A_64, %dma_start3A_65] : memref<100000x64xf32, #tpu.memory_space<hbm>> -> memref<100000x64xf32, #tpu.memory_space<hbm>>
    tpu.enqueue_indirect_dma source(%dma_start3A_66 : memref<100000x64xf32, #tpu.memory_space<hbm>>) target(%dma_start3A_60 : memref<128x64xf32, #tpu.memory_space<vmem>>) offsets(%dma_start3A_63 : memref<128xi32, #tpu.memory_space<vmem>>) semaphore(%arg7 : memref<!tpu.dma_semaphore, #tpu.memory_space<semaphore_mem>>)
    %scan3A = arith.constant 0 : i32
    %scan3A_67 = arith.constant 0 : i32
    %scan3A_68 = arith.constant 20 : i32
    %scan3A_69 = arith.addi %scan3A_67, %scan3A_68 : i32
    %scan3A_70 = arith.constant 1 : i32
    scf.for %scan3A_90 = %scan3A_67 to %scan3A_69 step %scan3A_70  : i32 {
      %mul3A_91 = arith.constant 2 : i32
      %mul3A_92 = arith.muli %mul3A_91, %scan3A_90 : i32
      %gt3A = arith.constant 0 : i32
      %gt3A_93 = arith.cmpi sgt, %scan3A_90, %gt3A : i32
      %convert_element_type3A = arith.extui %gt3A_93 : i1 to i32
      %cond3A = arith.constant 0 : i32
      %cond3A_94 = arith.cmpi ne, %convert_element_type3A, %cond3A : i32
      scf.if %cond3A_94 {
        %dma_wait3A_280 = arith.constant 1 : i32
        %dma_wait3A_281 = arith.constant 0 : i32
        %dma_wait3A_282 = arith.constant 0 : i32
        %dma_wait3A_283 = arith.constant 0 : i32
        %dma_wait3A_284 = tpu.memref_slice %arg6[%dma_wait3A_280, %dma_wait3A_281, %dma_wait3A_282, %dma_wait3A_283] : memref<2x5x128x64xf32, #tpu.memory_space<vmem>> -> memref<1x5x128x64xf32, #tpu.memory_space<vmem>>
        %dma_wait3A_285 = tpu.memref_squeeze %dma_wait3A_284 : memref<1x5x128x64xf32, #tpu.memory_space<vmem>> -> memref<5x128x64xf32, #tpu.memory_space<vmem>>
        %dma_wait3A_286 = arith.constant 0 : i32
        %dma_wait3A_287 = arith.constant 0 : i32
        %dma_wait3A_288 = arith.constant 0 : i32
        %dma_wait3A_289 = tpu.memref_slice %arg4[%dma_wait3A_286, %dma_wait3A_287, %dma_wait3A_288] : memref<6400x128x128xf32, #tpu.memory_space<hbm>> -> memref<5x128x64xf32, #tpu.memory_space<hbm>>
        %dma_wait3A_290 = arith.constant 0 : i32
        %dma_wait3A_291 = arith.constant 0 : i32
        %dma_wait3A_292 = arith.constant 0 : i32
        %dma_wait3A_293 = tpu.memref_slice %arg4[%dma_wait3A_290, %dma_wait3A_291, %dma_wait3A_292] : memref<6400x128x128xf32, #tpu.memory_space<hbm>> -> memref<5x128x64xf32, #tpu.memory_space<hbm>>
        %dma_wait3A_294 = arith.constant 0 : i32
        %dma_wait3A_295 = arith.constant 0 : i32
        %dma_wait3A_296 = arith.constant 0 : i32
        %dma_wait3A_297 = tpu.memref_slice %arg6[%dma_wait3A_280, %dma_wait3A_294, %dma_wait3A_295, %dma_wait3A_296] : memref<2x5x128x64xf32, #tpu.memory_space<vmem>> -> memref<1x5x128x64xf32, #tpu.memory_space<vmem>>
        %dma_wait3A_298 = tpu.memref_squeeze %dma_wait3A_297 : memref<1x5x128x64xf32, #tpu.memory_space<vmem>> -> memref<5x128x64xf32, #tpu.memory_space<vmem>>
        tpu.wait_dma2 semaphore(%arg8 : memref<!tpu.dma_semaphore, #tpu.memory_space<semaphore_mem>>) src(%dma_wait3A_298 : memref<5x128x64xf32, #tpu.memory_space<vmem>>) dst(%dma_wait3A_293 : memref<5x128x64xf32, #tpu.memory_space<hbm>>)
      } else {
      }
      %add3A_95 = arith.constant 1 : i32
      %add3A_96 = arith.addi %mul3A_92, %add3A_95 : i32
      %mul3A_97 = arith.constant 5 : i32
      %mul3A_98 = arith.muli %add3A_96, %mul3A_97 : i32
      %add3A_99 = arith.constant 0 : i32
      %add3A_100 = arith.addi %mul3A_98, %add3A_99 : i32
      %dma_start3A_101 = arith.constant 1 : i32
      %dma_start3A_102 = arith.constant 0 : i32
      %dma_start3A_103 = arith.constant 0 : i32
      %dma_start3A_104 = arith.constant 0 : i32
      %dma_start3A_105 = tpu.memref_slice %arg6[%dma_start3A_101, %dma_start3A_102, %dma_start3A_103, %dma_start3A_104] : memref<2x5x128x64xf32, #tpu.memory_space<vmem>> -> memref<1x1x128x64xf32, #tpu.memory_space<vmem>>
      %dma_start3A_106 = tpu.memref_squeeze %dma_start3A_105 : memref<1x1x128x64xf32, #tpu.memory_space<vmem>> -> memref<128x64xf32, #tpu.memory_space<vmem>>
      %dma_start3A_107 = arith.constant 0 : i32
      %dma_start3A_108 = tpu.memref_slice %arg5[%add3A_100, %dma_start3A_107] : memref<200x128xi32, #tpu.memory_space<vmem>> -> memref<1x128xi32, #tpu.memory_space<vmem>>
      %dma_start3A_109 = tpu.memref_squeeze %dma_start3A_108 : memref<1x128xi32, #tpu.memory_space<vmem>> -> memref<128xi32, #tpu.memory_space<vmem>>
      %dma_start3A_110 = arith.constant 0 : i32
      %dma_start3A_111 = arith.constant 0 : i32
      %dma_start3A_112 = tpu.memref_slice %arg3[%dma_start3A_110, %dma_start3A_111] : memref<100000x64xf32, #tpu.memory_space<hbm>> -> memref<100000x64xf32, #tpu.memory_space<hbm>>
      tpu.enqueue_indirect_dma source(%dma_start3A_112 : memref<100000x64xf32, #tpu.memory_space<hbm>>) target(%dma_start3A_106 : memref<128x64xf32, #tpu.memory_space<vmem>>) offsets(%dma_start3A_109 : memref<128xi32, #tpu.memory_space<vmem>>) semaphore(%arg7 : memref<!tpu.dma_semaphore, #tpu.memory_space<semaphore_mem>>)
      %mul3A_113 = arith.constant 5 : i32
      %mul3A_114 = arith.muli %add3A_96, %mul3A_113 : i32
      %add3A_115 = arith.constant 1 : i32
      %add3A_116 = arith.addi %mul3A_114, %add3A_115 : i32
      %dma_start3A_117 = arith.constant 1 : i32
      %dma_start3A_118 = arith.constant 1 : i32
      %dma_start3A_119 = arith.constant 0 : i32
      %dma_start3A_120 = arith.constant 0 : i32
      %dma_start3A_121 = tpu.memref_slice %arg6[%dma_start3A_117, %dma_start3A_118, %dma_start3A_119, %dma_start3A_120] : memref<2x5x128x64xf32, #tpu.memory_space<vmem>> -> memref<1x1x128x64xf32, #tpu.memory_space<vmem>>
      %dma_start3A_122 = tpu.memref_squeeze %dma_start3A_121 : memref<1x1x128x64xf32, #tpu.memory_space<vmem>> -> memref<128x64xf32, #tpu.memory_space<vmem>>
      %dma_start3A_123 = arith.constant 0 : i32
      %dma_start3A_124 = tpu.memref_slice %arg5[%add3A_116, %dma_start3A_123] : memref<200x128xi32, #tpu.memory_space<vmem>> -> memref<1x128xi32, #tpu.memory_space<vmem>>
      %dma_start3A_125 = tpu.memref_squeeze %dma_start3A_124 : memref<1x128xi32, #tpu.memory_space<vmem>> -> memref<128xi32, #tpu.memory_space<vmem>>
      %dma_start3A_126 = arith.constant 0 : i32
      %dma_start3A_127 = arith.constant 0 : i32
      %dma_start3A_128 = tpu.memref_slice %arg3[%dma_start3A_126, %dma_start3A_127] : memref<100000x64xf32, #tpu.memory_space<hbm>> -> memref<100000x64xf32, #tpu.memory_space<hbm>>
      tpu.enqueue_indirect_dma source(%dma_start3A_128 : memref<100000x64xf32, #tpu.memory_space<hbm>>) target(%dma_start3A_122 : memref<128x64xf32, #tpu.memory_space<vmem>>) offsets(%dma_start3A_125 : memref<128xi32, #tpu.memory_space<vmem>>) semaphore(%arg7 : memref<!tpu.dma_semaphore, #tpu.memory_space<semaphore_mem>>)
      %mul3A_129 = arith.constant 5 : i32
      %mul3A_130 = arith.muli %add3A_96, %mul3A_129 : i32
      %add3A_131 = arith.constant 2 : i32
      %add3A_132 = arith.addi %mul3A_130, %add3A_131 : i32
      %dma_start3A_133 = arith.constant 1 : i32
      %dma_start3A_134 = arith.constant 2 : i32
      %dma_start3A_135 = arith.constant 0 : i32
      %dma_start3A_136 = arith.constant 0 : i32
      %dma_start3A_137 = tpu.memref_slice %arg6[%dma_start3A_133, %dma_start3A_134, %dma_start3A_135, %dma_start3A_136] : memref<2x5x128x64xf32, #tpu.memory_space<vmem>> -> memref<1x1x128x64xf32, #tpu.memory_space<vmem>>
      %dma_start3A_138 = tpu.memref_squeeze %dma_start3A_137 : memref<1x1x128x64xf32, #tpu.memory_space<vmem>> -> memref<128x64xf32, #tpu.memory_space<vmem>>
      %dma_start3A_139 = arith.constant 0 : i32
      %dma_start3A_140 = tpu.memref_slice %arg5[%add3A_132, %dma_start3A_139] : memref<200x128xi32, #tpu.memory_space<vmem>> -> memref<1x128xi32, #tpu.memory_space<vmem>>
      %dma_start3A_141 = tpu.memref_squeeze %dma_start3A_140 : memref<1x128xi32, #tpu.memory_space<vmem>> -> memref<128xi32, #tpu.memory_space<vmem>>
      %dma_start3A_142 = arith.constant 0 : i32
      %dma_start3A_143 = arith.constant 0 : i32
      %dma_start3A_144 = tpu.memref_slice %arg3[%dma_start3A_142, %dma_start3A_143] : memref<100000x64xf32, #tpu.memory_space<hbm>> -> memref<100000x64xf32, #tpu.memory_space<hbm>>
      tpu.enqueue_indirect_dma source(%dma_start3A_144 : memref<100000x64xf32, #tpu.memory_space<hbm>>) target(%dma_start3A_138 : memref<128x64xf32, #tpu.memory_space<vmem>>) offsets(%dma_start3A_141 : memref<128xi32, #tpu.memory_space<vmem>>) semaphore(%arg7 : memref<!tpu.dma_semaphore, #tpu.memory_space<semaphore_mem>>)
      %mul3A_145 = arith.constant 5 : i32
      %mul3A_146 = arith.muli %add3A_96, %mul3A_145 : i32
      %add3A_147 = arith.constant 3 : i32
      %add3A_148 = arith.addi %mul3A_146, %add3A_147 : i32
      %dma_start3A_149 = arith.constant 1 : i32
      %dma_start3A_150 = arith.constant 3 : i32
      %dma_start3A_151 = arith.constant 0 : i32
      %dma_start3A_152 = arith.constant 0 : i32
      %dma_start3A_153 = tpu.memref_slice %arg6[%dma_start3A_149, %dma_start3A_150, %dma_start3A_151, %dma_start3A_152] : memref<2x5x128x64xf32, #tpu.memory_space<vmem>> -> memref<1x1x128x64xf32, #tpu.memory_space<vmem>>
      %dma_start3A_154 = tpu.memref_squeeze %dma_start3A_153 : memref<1x1x128x64xf32, #tpu.memory_space<vmem>> -> memref<128x64xf32, #tpu.memory_space<vmem>>
      %dma_start3A_155 = arith.constant 0 : i32
      %dma_start3A_156 = tpu.memref_slice %arg5[%add3A_148, %dma_start3A_155] : memref<200x128xi32, #tpu.memory_space<vmem>> -> memref<1x128xi32, #tpu.memory_space<vmem>>
      %dma_start3A_157 = tpu.memref_squeeze %dma_start3A_156 : memref<1x128xi32, #tpu.memory_space<vmem>> -> memref<128xi32, #tpu.memory_space<vmem>>
      %dma_start3A_158 = arith.constant 0 : i32
      %dma_start3A_159 = arith.constant 0 : i32
      %dma_start3A_160 = tpu.memref_slice %arg3[%dma_start3A_158, %dma_start3A_159] : memref<100000x64xf32, #tpu.memory_space<hbm>> -> memref<100000x64xf32, #tpu.memory_space<hbm>>
      tpu.enqueue_indirect_dma source(%dma_start3A_160 : memref<100000x64xf32, #tpu.memory_space<hbm>>) target(%dma_start3A_154 : memref<128x64xf32, #tpu.memory_space<vmem>>) offsets(%dma_start3A_157 : memref<128xi32, #tpu.memory_space<vmem>>) semaphore(%arg7 : memref<!tpu.dma_semaphore, #tpu.memory_space<semaphore_mem>>)
      %mul3A_161 = arith.constant 5 : i32
      %mul3A_162 = arith.muli %add3A_96, %mul3A_161 : i32
      %add3A_163 = arith.constant 4 : i32
      %add3A_164 = arith.addi %mul3A_162, %add3A_163 : i32
      %dma_start3A_165 = arith.constant 1 : i32
      %dma_start3A_166 = arith.constant 4 : i32
      %dma_start3A_167 = arith.constant 0 : i32
      %dma_start3A_168 = arith.constant 0 : i32
      %dma_start3A_169 = tpu.memref_slice %arg6[%dma_start3A_165, %dma_start3A_166, %dma_start3A_167, %dma_start3A_168] : memref<2x5x128x64xf32, #tpu.memory_space<vmem>> -> memref<1x1x128x64xf32, #tpu.memory_space<vmem>>
      %dma_start3A_170 = tpu.memref_squeeze %dma_start3A_169 : memref<1x1x128x64xf32, #tpu.memory_space<vmem>> -> memref<128x64xf32, #tpu.memory_space<vmem>>
      %dma_start3A_171 = arith.constant 0 : i32
      %dma_start3A_172 = tpu.memref_slice %arg5[%add3A_164, %dma_start3A_171] : memref<200x128xi32, #tpu.memory_space<vmem>> -> memref<1x128xi32, #tpu.memory_space<vmem>>
      %dma_start3A_173 = tpu.memref_squeeze %dma_start3A_172 : memref<1x128xi32, #tpu.memory_space<vmem>> -> memref<128xi32, #tpu.memory_space<vmem>>
      %dma_start3A_174 = arith.constant 0 : i32
      %dma_start3A_175 = arith.constant 0 : i32
      %dma_start3A_176 = tpu.memref_slice %arg3[%dma_start3A_174, %dma_start3A_175] : memref<100000x64xf32, #tpu.memory_space<hbm>> -> memref<100000x64xf32, #tpu.memory_space<hbm>>
      tpu.enqueue_indirect_dma source(%dma_start3A_176 : memref<100000x64xf32, #tpu.memory_space<hbm>>) target(%dma_start3A_170 : memref<128x64xf32, #tpu.memory_space<vmem>>) offsets(%dma_start3A_173 : memref<128xi32, #tpu.memory_space<vmem>>) semaphore(%arg7 : memref<!tpu.dma_semaphore, #tpu.memory_space<semaphore_mem>>)
      %dma_wait3A_177 = arith.constant 0 : i32
      %dma_wait3A_178 = arith.constant 0 : i32
      %dma_wait3A_179 = arith.constant 0 : i32
      %dma_wait3A_180 = arith.constant 0 : i32
      %dma_wait3A_181 = tpu.memref_slice %arg6[%dma_wait3A_177, %dma_wait3A_178, %dma_wait3A_179, %dma_wait3A_180] : memref<2x5x128x64xf32, #tpu.memory_space<vmem>> -> memref<1x5x128x64xf32, #tpu.memory_space<vmem>>
      %dma_wait3A_182 = tpu.memref_squeeze %dma_wait3A_181 : memref<1x5x128x64xf32, #tpu.memory_space<vmem>> -> memref<5x128x64xf32, #tpu.memory_space<vmem>>
      %dma_wait3A_183 = arith.constant 0 : i32
      %dma_wait3A_184 = arith.constant 0 : i32
      %dma_wait3A_185 = arith.constant 0 : i32
      %dma_wait3A_186 = tpu.memref_slice %arg4[%dma_wait3A_183, %dma_wait3A_184, %dma_wait3A_185] : memref<6400x128x128xf32, #tpu.memory_space<hbm>> -> memref<5x128x64xf32, #tpu.memory_space<hbm>>
      %dma_wait3A_187 = arith.constant 0 : i32
      %dma_wait3A_188 = arith.constant 0 : i32
      %dma_wait3A_189 = arith.constant 0 : i32
      %dma_wait3A_190 = tpu.memref_slice %arg6[%dma_wait3A_177, %dma_wait3A_187, %dma_wait3A_188, %dma_wait3A_189] : memref<2x5x128x64xf32, #tpu.memory_space<vmem>> -> memref<1x5x128x64xf32, #tpu.memory_space<vmem>>
      %dma_wait3A_191 = tpu.memref_squeeze %dma_wait3A_190 : memref<1x5x128x64xf32, #tpu.memory_space<vmem>> -> memref<5x128x64xf32, #tpu.memory_space<vmem>>
      %dma_wait3A_192 = arith.constant 0 : i32
      %dma_wait3A_193 = arith.constant 0 : i32
      %dma_wait3A_194 = arith.constant 0 : i32
      %dma_wait3A_195 = tpu.memref_slice %arg4[%dma_wait3A_192, %dma_wait3A_193, %dma_wait3A_194] : memref<6400x128x128xf32, #tpu.memory_space<hbm>> -> memref<5x128x64xf32, #tpu.memory_space<hbm>>
      tpu.wait_dma2 semaphore(%arg7 : memref<!tpu.dma_semaphore, #tpu.memory_space<semaphore_mem>>) src(%dma_wait3A_195 : memref<5x128x64xf32, #tpu.memory_space<hbm>>) dst(%dma_wait3A_191 : memref<5x128x64xf32, #tpu.memory_space<vmem>>)
      %mul3A_196 = arith.constant 5 : i32
      %mul3A_197 = arith.muli %mul3A_92, %mul3A_196 : i32
      %add3A_198 = arith.addi %mul3A_2, %mul3A_197 : i32
      %dma_start3A_199 = arith.constant 0 : i32
      %dma_start3A_200 = arith.constant 0 : i32
      %dma_start3A_201 = arith.constant 0 : i32
      %dma_start3A_202 = arith.constant 0 : i32
      %dma_start3A_203 = tpu.memref_slice %arg6[%dma_start3A_199, %dma_start3A_200, %dma_start3A_201, %dma_start3A_202] : memref<2x5x128x64xf32, #tpu.memory_space<vmem>> -> memref<1x5x128x64xf32, #tpu.memory_space<vmem>>
      %dma_start3A_204 = tpu.memref_squeeze %dma_start3A_203 : memref<1x5x128x64xf32, #tpu.memory_space<vmem>> -> memref<5x128x64xf32, #tpu.memory_space<vmem>>
      %dma_start3A_205 = arith.constant 0 : i32
      %dma_start3A_206 = arith.constant 0 : i32
      %dma_start3A_207 = tpu.memref_slice %arg4[%add3A_198, %dma_start3A_205, %dma_start3A_206] : memref<6400x128x128xf32, #tpu.memory_space<hbm>> -> memref<5x128x64xf32, #tpu.memory_space<hbm>>
      %dma_start3A_208 = arith.constant 0 : i32
      %dma_start3A_209 = arith.constant 0 : i32
      %dma_start3A_210 = tpu.memref_slice %arg4[%add3A_198, %dma_start3A_208, %dma_start3A_209] : memref<6400x128x128xf32, #tpu.memory_space<hbm>> -> memref<5x128x64xf32, #tpu.memory_space<hbm>>
      %dma_start3A_211 = arith.constant 0 : i32
      %dma_start3A_212 = arith.constant 0 : i32
      %dma_start3A_213 = arith.constant 0 : i32
      %dma_start3A_214 = tpu.memref_slice %arg6[%dma_start3A_199, %dma_start3A_211, %dma_start3A_212, %dma_start3A_213] : memref<2x5x128x64xf32, #tpu.memory_space<vmem>> -> memref<1x5x128x64xf32, #tpu.memory_space<vmem>>
      %dma_start3A_215 = tpu.memref_squeeze %dma_start3A_214 : memref<1x5x128x64xf32, #tpu.memory_space<vmem>> -> memref<5x128x64xf32, #tpu.memory_space<vmem>>
      tpu.enqueue_dma source(%dma_start3A_215 : memref<5x128x64xf32, #tpu.memory_space<vmem>>) target(%dma_start3A_210 : memref<5x128x64xf32, #tpu.memory_space<hbm>>) target_semaphore(%arg8 : memref<!tpu.dma_semaphore, #tpu.memory_space<semaphore_mem>>)
      %dma_wait3A_216 = arith.constant 0 : i32
      %dma_wait3A_217 = arith.constant 0 : i32
      %dma_wait3A_218 = arith.constant 0 : i32
      %dma_wait3A_219 = arith.constant 0 : i32
      %dma_wait3A_220 = tpu.memref_slice %arg6[%dma_wait3A_216, %dma_wait3A_217, %dma_wait3A_218, %dma_wait3A_219] : memref<2x5x128x64xf32, #tpu.memory_space<vmem>> -> memref<1x5x128x64xf32, #tpu.memory_space<vmem>>
      %dma_wait3A_221 = tpu.memref_squeeze %dma_wait3A_220 : memref<1x5x128x64xf32, #tpu.memory_space<vmem>> -> memref<5x128x64xf32, #tpu.memory_space<vmem>>
      %dma_wait3A_222 = arith.constant 0 : i32
      %dma_wait3A_223 = arith.constant 0 : i32
      %dma_wait3A_224 = arith.constant 0 : i32
      %dma_wait3A_225 = tpu.memref_slice %arg4[%dma_wait3A_222, %dma_wait3A_223, %dma_wait3A_224] : memref<6400x128x128xf32, #tpu.memory_space<hbm>> -> memref<5x128x64xf32, #tpu.memory_space<hbm>>
      %dma_wait3A_226 = arith.constant 0 : i32
      %dma_wait3A_227 = arith.constant 0 : i32
      %dma_wait3A_228 = arith.constant 0 : i32
      %dma_wait3A_229 = tpu.memref_slice %arg4[%dma_wait3A_226, %dma_wait3A_227, %dma_wait3A_228] : memref<6400x128x128xf32, #tpu.memory_space<hbm>> -> memref<5x128x64xf32, #tpu.memory_space<hbm>>
      %dma_wait3A_230 = arith.constant 0 : i32
      %dma_wait3A_231 = arith.constant 0 : i32
      %dma_wait3A_232 = arith.constant 0 : i32
      %dma_wait3A_233 = tpu.memref_slice %arg6[%dma_wait3A_216, %dma_wait3A_230, %dma_wait3A_231, %dma_wait3A_232] : memref<2x5x128x64xf32, #tpu.memory_space<vmem>> -> memref<1x5x128x64xf32, #tpu.memory_space<vmem>>
      %dma_wait3A_234 = tpu.memref_squeeze %dma_wait3A_233 : memref<1x5x128x64xf32, #tpu.memory_space<vmem>> -> memref<5x128x64xf32, #tpu.memory_space<vmem>>
      tpu.wait_dma2 semaphore(%arg8 : memref<!tpu.dma_semaphore, #tpu.memory_space<semaphore_mem>>) src(%dma_wait3A_234 : memref<5x128x64xf32, #tpu.memory_space<vmem>>) dst(%dma_wait3A_229 : memref<5x128x64xf32, #tpu.memory_space<hbm>>)
      %lt3A = arith.constant 19 : i32
      %lt3A_235 = arith.cmpi slt, %scan3A_90, %lt3A : i32
      %convert_element_type3A_236 = arith.extui %lt3A_235 : i1 to i32
      %cond3A_237 = arith.constant 0 : i32
      %cond3A_238 = arith.cmpi ne, %convert_element_type3A_236, %cond3A_237 : i32
      scf.if %cond3A_238 {
        %add3A_280 = arith.constant 2 : i32
        %add3A_281 = arith.addi %mul3A_92, %add3A_280 : i32
        %mul3A_282 = arith.constant 5 : i32
        %mul3A_283 = arith.muli %add3A_281, %mul3A_282 : i32
        %add3A_284 = arith.constant 0 : i32
        %add3A_285 = arith.addi %mul3A_283, %add3A_284 : i32
        %dma_start3A_286 = arith.constant 0 : i32
        %dma_start3A_287 = arith.constant 0 : i32
        %dma_start3A_288 = arith.constant 0 : i32
        %dma_start3A_289 = arith.constant 0 : i32
        %dma_start3A_290 = tpu.memref_slice %arg6[%dma_start3A_286, %dma_start3A_287, %dma_start3A_288, %dma_start3A_289] : memref<2x5x128x64xf32, #tpu.memory_space<vmem>> -> memref<1x1x128x64xf32, #tpu.memory_space<vmem>>
        %dma_start3A_291 = tpu.memref_squeeze %dma_start3A_290 : memref<1x1x128x64xf32, #tpu.memory_space<vmem>> -> memref<128x64xf32, #tpu.memory_space<vmem>>
        %dma_start3A_292 = arith.constant 0 : i32
        %dma_start3A_293 = tpu.memref_slice %arg5[%add3A_285, %dma_start3A_292] : memref<200x128xi32, #tpu.memory_space<vmem>> -> memref<1x128xi32, #tpu.memory_space<vmem>>
        %dma_start3A_294 = tpu.memref_squeeze %dma_start3A_293 : memref<1x128xi32, #tpu.memory_space<vmem>> -> memref<128xi32, #tpu.memory_space<vmem>>
        %dma_start3A_295 = arith.constant 0 : i32
        %dma_start3A_296 = arith.constant 0 : i32
        %dma_start3A_297 = tpu.memref_slice %arg3[%dma_start3A_295, %dma_start3A_296] : memref<100000x64xf32, #tpu.memory_space<hbm>> -> memref<100000x64xf32, #tpu.memory_space<hbm>>
        tpu.enqueue_indirect_dma source(%dma_start3A_297 : memref<100000x64xf32, #tpu.memory_space<hbm>>) target(%dma_start3A_291 : memref<128x64xf32, #tpu.memory_space<vmem>>) offsets(%dma_start3A_294 : memref<128xi32, #tpu.memory_space<vmem>>) semaphore(%arg7 : memref<!tpu.dma_semaphore, #tpu.memory_space<semaphore_mem>>)
        %mul3A_298 = arith.constant 5 : i32
        %mul3A_299 = arith.muli %add3A_281, %mul3A_298 : i32
        %add3A_300 = arith.constant 1 : i32
        %add3A_301 = arith.addi %mul3A_299, %add3A_300 : i32
        %dma_start3A_302 = arith.constant 0 : i32
        %dma_start3A_303 = arith.constant 1 : i32
        %dma_start3A_304 = arith.constant 0 : i32
        %dma_start3A_305 = arith.constant 0 : i32
        %dma_start3A_306 = tpu.memref_slice %arg6[%dma_start3A_302, %dma_start3A_303, %dma_start3A_304, %dma_start3A_305] : memref<2x5x128x64xf32, #tpu.memory_space<vmem>> -> memref<1x1x128x64xf32, #tpu.memory_space<vmem>>
        %dma_start3A_307 = tpu.memref_squeeze %dma_start3A_306 : memref<1x1x128x64xf32, #tpu.memory_space<vmem>> -> memref<128x64xf32, #tpu.memory_space<vmem>>
        %dma_start3A_308 = arith.constant 0 : i32
        %dma_start3A_309 = tpu.memref_slice %arg5[%add3A_301, %dma_start3A_308] : memref<200x128xi32, #tpu.memory_space<vmem>> -> memref<1x128xi32, #tpu.memory_space<vmem>>
        %dma_start3A_310 = tpu.memref_squeeze %dma_start3A_309 : memref<1x128xi32, #tpu.memory_space<vmem>> -> memref<128xi32, #tpu.memory_space<vmem>>
        %dma_start3A_311 = arith.constant 0 : i32
        %dma_start3A_312 = arith.constant 0 : i32
        %dma_start3A_313 = tpu.memref_slice %arg3[%dma_start3A_311, %dma_start3A_312] : memref<100000x64xf32, #tpu.memory_space<hbm>> -> memref<100000x64xf32, #tpu.memory_space<hbm>>
        tpu.enqueue_indirect_dma source(%dma_start3A_313 : memref<100000x64xf32, #tpu.memory_space<hbm>>) target(%dma_start3A_307 : memref<128x64xf32, #tpu.memory_space<vmem>>) offsets(%dma_start3A_310 : memref<128xi32, #tpu.memory_space<vmem>>) semaphore(%arg7 : memref<!tpu.dma_semaphore, #tpu.memory_space<semaphore_mem>>)
        %mul3A_314 = arith.constant 5 : i32
        %mul3A_315 = arith.muli %add3A_281, %mul3A_314 : i32
        %add3A_316 = arith.constant 2 : i32
        %add3A_317 = arith.addi %mul3A_315, %add3A_316 : i32
        %dma_start3A_318 = arith.constant 0 : i32
        %dma_start3A_319 = arith.constant 2 : i32
        %dma_start3A_320 = arith.constant 0 : i32
        %dma_start3A_321 = arith.constant 0 : i32
        %dma_start3A_322 = tpu.memref_slice %arg6[%dma_start3A_318, %dma_start3A_319, %dma_start3A_320, %dma_start3A_321] : memref<2x5x128x64xf32, #tpu.memory_space<vmem>> -> memref<1x1x128x64xf32, #tpu.memory_space<vmem>>
        %dma_start3A_323 = tpu.memref_squeeze %dma_start3A_322 : memref<1x1x128x64xf32, #tpu.memory_space<vmem>> -> memref<128x64xf32, #tpu.memory_space<vmem>>
        %dma_start3A_324 = arith.constant 0 : i32
        %dma_start3A_325 = tpu.memref_slice %arg5[%add3A_317, %dma_start3A_324] : memref<200x128xi32, #tpu.memory_space<vmem>> -> memref<1x128xi32, #tpu.memory_space<vmem>>
        %dma_start3A_326 = tpu.memref_squeeze %dma_start3A_325 : memref<1x128xi32, #tpu.memory_space<vmem>> -> memref<128xi32, #tpu.memory_space<vmem>>
        %dma_start3A_327 = arith.constant 0 : i32
        %dma_start3A_328 = arith.constant 0 : i32
        %dma_start3A_329 = tpu.memref_slice %arg3[%dma_start3A_327, %dma_start3A_328] : memref<100000x64xf32, #tpu.memory_space<hbm>> -> memref<100000x64xf32, #tpu.memory_space<hbm>>
        tpu.enqueue_indirect_dma source(%dma_start3A_329 : memref<100000x64xf32, #tpu.memory_space<hbm>>) target(%dma_start3A_323 : memref<128x64xf32, #tpu.memory_space<vmem>>) offsets(%dma_start3A_326 : memref<128xi32, #tpu.memory_space<vmem>>) semaphore(%arg7 : memref<!tpu.dma_semaphore, #tpu.memory_space<semaphore_mem>>)
        %mul3A_330 = arith.constant 5 : i32
        %mul3A_331 = arith.muli %add3A_281, %mul3A_330 : i32
        %add3A_332 = arith.constant 3 : i32
        %add3A_333 = arith.addi %mul3A_331, %add3A_332 : i32
        %dma_start3A_334 = arith.constant 0 : i32
        %dma_start3A_335 = arith.constant 3 : i32
        %dma_start3A_336 = arith.constant 0 : i32
        %dma_start3A_337 = arith.constant 0 : i32
        %dma_start3A_338 = tpu.memref_slice %arg6[%dma_start3A_334, %dma_start3A_335, %dma_start3A_336, %dma_start3A_337] : memref<2x5x128x64xf32, #tpu.memory_space<vmem>> -> memref<1x1x128x64xf32, #tpu.memory_space<vmem>>
        %dma_start3A_339 = tpu.memref_squeeze %dma_start3A_338 : memref<1x1x128x64xf32, #tpu.memory_space<vmem>> -> memref<128x64xf32, #tpu.memory_space<vmem>>
        %dma_start3A_340 = arith.constant 0 : i32
        %dma_start3A_341 = tpu.memref_slice %arg5[%add3A_333, %dma_start3A_340] : memref<200x128xi32, #tpu.memory_space<vmem>> -> memref<1x128xi32, #tpu.memory_space<vmem>>
        %dma_start3A_342 = tpu.memref_squeeze %dma_start3A_341 : memref<1x128xi32, #tpu.memory_space<vmem>> -> memref<128xi32, #tpu.memory_space<vmem>>
        %dma_start3A_343 = arith.constant 0 : i32
        %dma_start3A_344 = arith.constant 0 : i32
        %dma_start3A_345 = tpu.memref_slice %arg3[%dma_start3A_343, %dma_start3A_344] : memref<100000x64xf32, #tpu.memory_space<hbm>> -> memref<100000x64xf32, #tpu.memory_space<hbm>>
        tpu.enqueue_indirect_dma source(%dma_start3A_345 : memref<100000x64xf32, #tpu.memory_space<hbm>>) target(%dma_start3A_339 : memref<128x64xf32, #tpu.memory_space<vmem>>) offsets(%dma_start3A_342 : memref<128xi32, #tpu.memory_space<vmem>>) semaphore(%arg7 : memref<!tpu.dma_semaphore, #tpu.memory_space<semaphore_mem>>)
        %mul3A_346 = arith.constant 5 : i32
        %mul3A_347 = arith.muli %add3A_281, %mul3A_346 : i32
        %add3A_348 = arith.constant 4 : i32
        %add3A_349 = arith.addi %mul3A_347, %add3A_348 : i32
        %dma_start3A_350 = arith.constant 0 : i32
        %dma_start3A_351 = arith.constant 4 : i32
        %dma_start3A_352 = arith.constant 0 : i32
        %dma_start3A_353 = arith.constant 0 : i32
        %dma_start3A_354 = tpu.memref_slice %arg6[%dma_start3A_350, %dma_start3A_351, %dma_start3A_352, %dma_start3A_353] : memref<2x5x128x64xf32, #tpu.memory_space<vmem>> -> memref<1x1x128x64xf32, #tpu.memory_space<vmem>>
        %dma_start3A_355 = tpu.memref_squeeze %dma_start3A_354 : memref<1x1x128x64xf32, #tpu.memory_space<vmem>> -> memref<128x64xf32, #tpu.memory_space<vmem>>
        %dma_start3A_356 = arith.constant 0 : i32
        %dma_start3A_357 = tpu.memref_slice %arg5[%add3A_349, %dma_start3A_356] : memref<200x128xi32, #tpu.memory_space<vmem>> -> memref<1x128xi32, #tpu.memory_space<vmem>>
        %dma_start3A_358 = tpu.memref_squeeze %dma_start3A_357 : memref<1x128xi32, #tpu.memory_space<vmem>> -> memref<128xi32, #tpu.memory_space<vmem>>
        %dma_start3A_359 = arith.constant 0 : i32
        %dma_start3A_360 = arith.constant 0 : i32
        %dma_start3A_361 = tpu.memref_slice %arg3[%dma_start3A_359, %dma_start3A_360] : memref<100000x64xf32, #tpu.memory_space<hbm>> -> memref<100000x64xf32, #tpu.memory_space<hbm>>
        tpu.enqueue_indirect_dma source(%dma_start3A_361 : memref<100000x64xf32, #tpu.memory_space<hbm>>) target(%dma_start3A_355 : memref<128x64xf32, #tpu.memory_space<vmem>>) offsets(%dma_start3A_358 : memref<128xi32, #tpu.memory_space<vmem>>) semaphore(%arg7 : memref<!tpu.dma_semaphore, #tpu.memory_space<semaphore_mem>>)
      } else {
      }
      %dma_wait3A_239 = arith.constant 1 : i32
      %dma_wait3A_240 = arith.constant 0 : i32
      %dma_wait3A_241 = arith.constant 0 : i32
      %dma_wait3A_242 = arith.constant 0 : i32
      %dma_wait3A_243 = tpu.memref_slice %arg6[%dma_wait3A_239, %dma_wait3A_240, %dma_wait3A_241, %dma_wait3A_242] : memref<2x5x128x64xf32, #tpu.memory_space<vmem>> -> memref<1x5x128x64xf32, #tpu.memory_space<vmem>>
      %dma_wait3A_244 = tpu.memref_squeeze %dma_wait3A_243 : memref<1x5x128x64xf32, #tpu.memory_space<vmem>> -> memref<5x128x64xf32, #tpu.memory_space<vmem>>
      %dma_wait3A_245 = arith.constant 0 : i32
      %dma_wait3A_246 = arith.constant 0 : i32
      %dma_wait3A_247 = arith.constant 0 : i32
      %dma_wait3A_248 = tpu.memref_slice %arg4[%dma_wait3A_245, %dma_wait3A_246, %dma_wait3A_247] : memref<6400x128x128xf32, #tpu.memory_space<hbm>> -> memref<5x128x64xf32, #tpu.memory_space<hbm>>
      %dma_wait3A_249 = arith.constant 0 : i32
      %dma_wait3A_250 = arith.constant 0 : i32
      %dma_wait3A_251 = arith.constant 0 : i32
      %dma_wait3A_252 = tpu.memref_slice %arg6[%dma_wait3A_239, %dma_wait3A_249, %dma_wait3A_250, %dma_wait3A_251] : memref<2x5x128x64xf32, #tpu.memory_space<vmem>> -> memref<1x5x128x64xf32, #tpu.memory_space<vmem>>
      %dma_wait3A_253 = tpu.memref_squeeze %dma_wait3A_252 : memref<1x5x128x64xf32, #tpu.memory_space<vmem>> -> memref<5x128x64xf32, #tpu.memory_space<vmem>>
      %dma_wait3A_254 = arith.constant 0 : i32
      %dma_wait3A_255 = arith.constant 0 : i32
      %dma_wait3A_256 = arith.constant 0 : i32
      %dma_wait3A_257 = tpu.memref_slice %arg4[%dma_wait3A_254, %dma_wait3A_255, %dma_wait3A_256] : memref<6400x128x128xf32, #tpu.memory_space<hbm>> -> memref<5x128x64xf32, #tpu.memory_space<hbm>>
      tpu.wait_dma2 semaphore(%arg7 : memref<!tpu.dma_semaphore, #tpu.memory_space<semaphore_mem>>) src(%dma_wait3A_257 : memref<5x128x64xf32, #tpu.memory_space<hbm>>) dst(%dma_wait3A_253 : memref<5x128x64xf32, #tpu.memory_space<vmem>>)
      %add3A_258 = arith.constant 1 : i32
      %add3A_259 = arith.addi %mul3A_92, %add3A_258 : i32
      %mul3A_260 = arith.constant 5 : i32
      %mul3A_261 = arith.muli %add3A_259, %mul3A_260 : i32
      %add3A_262 = arith.addi %mul3A_2, %mul3A_261 : i32
      %dma_start3A_263 = arith.constant 1 : i32
      %dma_start3A_264 = arith.constant 0 : i32
      %dma_start3A_265 = arith.constant 0 : i32
      %dma_start3A_266 = arith.constant 0 : i32
      %dma_start3A_267 = tpu.memref_slice %arg6[%dma_start3A_263, %dma_start3A_264, %dma_start3A_265, %dma_start3A_266] : memref<2x5x128x64xf32, #tpu.memory_space<vmem>> -> memref<1x5x128x64xf32, #tpu.memory_space<vmem>>
      %dma_start3A_268 = tpu.memref_squeeze %dma_start3A_267 : memref<1x5x128x64xf32, #tpu.memory_space<vmem>> -> memref<5x128x64xf32, #tpu.memory_space<vmem>>
      %dma_start3A_269 = arith.constant 0 : i32
      %dma_start3A_270 = arith.constant 0 : i32
      %dma_start3A_271 = tpu.memref_slice %arg4[%add3A_262, %dma_start3A_269, %dma_start3A_270] : memref<6400x128x128xf32, #tpu.memory_space<hbm>> -> memref<5x128x64xf32, #tpu.memory_space<hbm>>
      %dma_start3A_272 = arith.constant 0 : i32
      %dma_start3A_273 = arith.constant 0 : i32
      %dma_start3A_274 = tpu.memref_slice %arg4[%add3A_262, %dma_start3A_272, %dma_start3A_273] : memref<6400x128x128xf32, #tpu.memory_space<hbm>> -> memref<5x128x64xf32, #tpu.memory_space<hbm>>
      %dma_start3A_275 = arith.constant 0 : i32
      %dma_start3A_276 = arith.constant 0 : i32
      %dma_start3A_277 = arith.constant 0 : i32
      %dma_start3A_278 = tpu.memref_slice %arg6[%dma_start3A_263, %dma_start3A_275, %dma_start3A_276, %dma_start3A_277] : memref<2x5x128x64xf32, #tpu.memory_space<vmem>> -> memref<1x5x128x64xf32, #tpu.memory_space<vmem>>
      %dma_start3A_279 = tpu.memref_squeeze %dma_start3A_278 : memref<1x5x128x64xf32, #tpu.memory_space<vmem>> -> memref<5x128x64xf32, #tpu.memory_space<vmem>>
      tpu.enqueue_dma source(%dma_start3A_279 : memref<5x128x64xf32, #tpu.memory_space<vmem>>) target(%dma_start3A_274 : memref<5x128x64xf32, #tpu.memory_space<hbm>>) target_semaphore(%arg8 : memref<!tpu.dma_semaphore, #tpu.memory_space<semaphore_mem>>)
    }
    %scan3A_71 = arith.constant 20 : i32
    %dma_wait3A = arith.constant 1 : i32
    %dma_wait3A_72 = arith.constant 0 : i32
    %dma_wait3A_73 = arith.constant 0 : i32
    %dma_wait3A_74 = arith.constant 0 : i32
    %dma_wait3A_75 = tpu.memref_slice %arg6[%dma_wait3A, %dma_wait3A_72, %dma_wait3A_73, %dma_wait3A_74] : memref<2x5x128x64xf32, #tpu.memory_space<vmem>> -> memref<1x5x128x64xf32, #tpu.memory_space<vmem>>
    %dma_wait3A_76 = tpu.memref_squeeze %dma_wait3A_75 : memref<1x5x128x64xf32, #tpu.memory_space<vmem>> -> memref<5x128x64xf32, #tpu.memory_space<vmem>>
    %dma_wait3A_77 = arith.constant 0 : i32
    %dma_wait3A_78 = arith.constant 0 : i32
    %dma_wait3A_79 = arith.constant 0 : i32
    %dma_wait3A_80 = tpu.memref_slice %arg4[%dma_wait3A_77, %dma_wait3A_78, %dma_wait3A_79] : memref<6400x128x128xf32, #tpu.memory_space<hbm>> -> memref<5x128x64xf32, #tpu.memory_space<hbm>>
    %dma_wait3A_81 = arith.constant 0 : i32
    %dma_wait3A_82 = arith.constant 0 : i32
    %dma_wait3A_83 = arith.constant 0 : i32
    %dma_wait3A_84 = tpu.memref_slice %arg4[%dma_wait3A_81, %dma_wait3A_82, %dma_wait3A_83] : memref<6400x128x128xf32, #tpu.memory_space<hbm>> -> memref<5x128x64xf32, #tpu.memory_space<hbm>>
    %dma_wait3A_85 = arith.constant 0 : i32
    %dma_wait3A_86 = arith.constant 0 : i32
    %dma_wait3A_87 = arith.constant 0 : i32
    %dma_wait3A_88 = tpu.memref_slice %arg6[%dma_wait3A, %dma_wait3A_85, %dma_wait3A_86, %dma_wait3A_87] : memref<2x5x128x64xf32, #tpu.memory_space<vmem>> -> memref<1x5x128x64xf32, #tpu.memory_space<vmem>>
    %dma_wait3A_89 = tpu.memref_squeeze %dma_wait3A_88 : memref<1x5x128x64xf32, #tpu.memory_space<vmem>> -> memref<5x128x64xf32, #tpu.memory_space<vmem>>
    tpu.wait_dma2 semaphore(%arg8 : memref<!tpu.dma_semaphore, #tpu.memory_space<semaphore_mem>>) src(%dma_wait3A_89 : memref<5x128x64xf32, #tpu.memory_space<vmem>>) dst(%dma_wait3A_84 : memref<5x128x64xf32, #tpu.memory_space<hbm>>)
    return
  }
}

</mosaic_0001>

<sc_bundles>
// kernel: _gather_rows.3.cloned.1.call-start
scs
__scs_entry_jumppad:
0x0: {  	(pc) =	sbr.rel $0x88, $3  }
0x1: {  	(tag) =	ssettag $0x0;
	lr =	simm.s32 $0x1  }
0x2: {  	[smem:$0x3F9F] =	sst lr;
	_ =	strace $0xD0000000  }
0x3: {  	_ = 	snop  }
0x4: {  	_ = 	snop  }
0x5: {  	_ = 	snop  }
0x6: {  	_ = 	snop  }
0x7: {  	_ = 	snop  }
__scs_overlays_trampoline_lowered:
0x8: {  	[smem:$0x3FAE] =	sst s0  }
0x9: {  	[smem:$0x3FAF] =	sst s1  }
0xa: {  	[smem:$0x3FB0] =	sst s2  }
0xb: {  	[smem:$0x3FB1] =	sst s3  }
0xc: {  	[smem:$0x3FB2] =	sst s4  }
0xd: {  	[smem:$0x3FB3] =	sst s5  }
0xe: {  	[smem:$0x3FB4] =	sst s6  }
0xf: {  	[smem:$0x3FB5] =	sst s7  }
0x10: {  	[smem:$0x3FB6] =	sst s8  }
0x11: {  	[smem:$0x3FB7] =	sst s9;
	s0 =	simm.s32 @!p0 $0x0  }
0x12: {  	s1 =	sld [smem:$0x3F9D];
	s0 =	simm.s32 @p0 $0x1  }
0x13: {  	[smem:$0x3FB8] =	sst s0;
	s0 =	simm.s32 @!p1 $0x0  }
0x14: {  	s2 =	sld [smem:$0x3F9C];
	s0 =	simm.s32 @p1 $0x1  }
0x15: {  	[smem:$0x3FB9] =	sst s0;
	s0 =	simm.s32 @!p2 $0x0  }
0x16: {  	s3 =	sld [smem:$0x3FDB];
	s0 =	simm.s32 @p2 $0x1  }
0x17: {  	s4 =	simm.s32 $0x1BF5;
	[smem:$0x3FBB] =	sst s0  }
0x18: {  	s0 =	sld [smem:$0x3F9E];
	_ =	swait.ge [sflag:s4], $0x0  }
0x19: {  	s7 =	sld [smem:$0x3F9F]  }
0x1a: {  	s8 =	sadd.s32 $0xFFFFE003, lr  }
0x1b: {  	s9 =	sadd.s32 $0xFFFFFEF7, lr;
	s5 =	simm.s32 $0xFFFFFFFF;
	p2 =	slt.u32 s8, $0xFFFFF086  }
0x1c: {  	p1 =	slt.u32 s9, $0xF7A;
	s5 =	simm.s32 @!p2 $0x0  }
0x1d: {  	s5 =	simm.s32 @p1 $0x1;
	p0 =	seq.s32 s7, s2  }
0x1e: {  	s7 =	smul.u32 @!p0 $0xF7A, s2;
	p2 =	seq.s32 @!p0 s5, $0x0  }
0x1f: {  	s9 =	smul.u32 $0xF7A, s1;
	s8 =	simm.s32 @!p0 $0x1BF5;
	p2 =	por !p2, p0  }
0x20: {  	[sflag:s8] =	ssyncset.s32 @!p0 $0xFFFFF086;
	s6 =	sadd.s32 @!p0 s3, s7;
	s7 =	simm.s32 @!p0 $0x108  }
0x21: {  	s3 =	sadd.s32 s3, s9;
	s6 =	sadd.s32 @!p0 $0x88, s6;
	s7 =	simm.s32 @p2 $0x1082  }
0x22: {  	[simem:s7], [sflag:s8] =	dma.local @!p0 [hbm:s6], $0xF7A  }
0x23: {  	s9 =	sor.u32 $0xD0000000, s2;
	s6 =	simm.s32 $0x108;
	_ =	swait.ge @!p0 [sflag:s8], $0x0  }
0x24: {  	s3 =	sadd.s32 $0x88, s3;
	s6 =	simm.s32 @!p1 $0x1082;
	[sflag:s4] =	ssyncset.s32 $0xFFFFF086  }
0x25: {  	[simem:s6], [sflag:s4] =	dma.local [hbm:s3], $0xF7A  }
0x26: {  	[smem:$0x3F9F] =	sst s1;
	(tag) =	ssettag s2;
	_ =	strace s9  }
0x27: {  	s1 =	sld [smem:$0x3FAF]  }
0x28: {  	s2 =	sld [smem:$0x3FB0]  }
0x29: {  	s4 =	sld [smem:$0x3FB2]  }
0x2a: {  	p0 =	seq.s32 s5, $0x0;
	s5 =	sld [smem:$0x3FB3]  }
0x2b: {  	s6 =	sld [smem:$0x3FB4]  }
0x2c: {  	s7 =	sld [smem:$0x3FB5]  }
0x2d: {  	s3 =	simm.s32 $0x108;
	s8 =	sld [smem:$0x3FB6]  }
0x2e: {  	s3 =	simm.s32 @!p0 $0x1082;
	s9 =	sld [smem:$0x3FB7]  }
0x2f: {  	lr =	sadd.s32 s0, s3;
	s0 =	sld [smem:$0x3FAE]  }
0x30: {  	s3 =	sld [smem:$0x3FB1]  }
0x31: {  	[smem:$0x3FBA] =	sst s10  }
0x32: {  	s10 =	sld [smem:$0x3FB8];
	_ =	sdelay $0x3  }
0x33: {  	p0 =	seq.s32 s10, $0x1;
	s10 =	sld [smem:$0x3FBA];
	_ =	sdelay $0x3  }
0x34: {  	[smem:$0x3FBA] =	sst s10  }
0x35: {  	s10 =	sld [smem:$0x3FB9];
	_ =	sdelay $0x3  }
0x36: {  	p1 =	seq.s32 s10, $0x1;
	s10 =	sld [smem:$0x3FBA];
	_ =	sdelay $0x3  }
0x37: {  	[smem:$0x3FBA] =	sst s10  }
0x38: {  	s10 =	sld [smem:$0x3FBB]  }
0x39: {  	_ = 	snop;
	(pc) =	sbr.ind lr, $3  }
0x3a: {  	_ = 	snop  }
0x3b: {  	_ = 	snop  }
0x3c: {  	p2 =	seq.s32 s10, $0x1;
	s10 =	sld [smem:$0x3FBA]  }
0x3d: {  	_ =	shalt  }
0x3e: {  	_ =	shalt  }
0x3f: {  	_ =	shalt  }
0x40: {  	_ =	shalt  }
0x41: {  	_ =	shalt  }
0x42: {  	_ =	shalt  }
0x43: {  	_ =	shalt  }
0x44: {  	_ =	shalt  }
0x45: {  	_ =	shalt  }
0x46: {  	_ =	shalt  }
0x47: {  	_ =	shalt  }
0x48: {  	_ =	shalt  }
0x49: {  	_ =	shalt  }
0x4a: {  	_ =	shalt  }
0x4b: {  	_ =	shalt  }
0x4c: {  	_ =	shalt  }
0x4d: {  	_ =	shalt  }
0x4e: {  	_ =	shalt  }
0x4f: {  	_ =	shalt  }
0x50: {  	_ =	shalt  }
0x51: {  	_ =	shalt  }
0x52: {  	_ =	shalt  }
0x53: {  	_ =	shalt  }
0x54: {  	_ =	shalt  }
0x55: {  	_ =	shalt  }
0x56: {  	_ =	shalt  }
0x57: {  	_ =	shalt  }
0x58: {  	_ =	shalt  }
0x59: {  	_ =	shalt  }
0x5a: {  	_ =	shalt  }
0x5b: {  	_ =	shalt  }
0x5c: {  	_ =	shalt  }
0x5d: {  	_ =	shalt  }
0x5e: {  	_ =	shalt  }
0x5f: {  	_ =	shalt  }
0x60: {  	_ =	shalt  }
0x61: {  	_ =	shalt  }
0x62: {  	_ =	shalt  }
0x63: {  	_ =	shalt  }
0x64: {  	_ =	shalt  }
0x65: {  	_ =	shalt  }
0x66: {  	_ =	shalt  }
0x67: {  	_ =	shalt  }
0x68: {  	_ =	shalt  }
0x69: {  	_ =	shalt  }
0x6a: {  	_ =	shalt  }
0x6b: {  	_ =	shalt  }
0x6c: {  	_ =	shalt  }
0x6d: {  	_ =	shalt  }
0x6e: {  	_ =	shalt  }
0x6f: {  	_ =	shalt  }
0x70: {  	_ =	shalt  }
0x71: {  	_ =	shalt  }
0x72: {  	_ =	shalt  }
0x73: {  	_ =	shalt  }
0x74: {  	_ =	shalt  }
0x75: {  	_ =	shalt  }
0x76: {  	_ =	shalt  }
0x77: {  	_ =	shalt  }
0x78: {  	_ =	shalt  }
0x79: {  	_ =	shalt  }
0x7a: {  	_ =	shalt  }
0x7b: {  	_ =	shalt  }
0x7c: {  	_ =	shalt  }
0x7d: {  	_ =	shalt  }
0x7e: {  	_ =	shalt  }
0x7f: {  	_ =	shalt  }
0x80: {  	_ =	shalt  }
0x81: {  	_ =	shalt  }
0x82: {  	_ =	shalt  }
0x83: {  	_ =	shalt  }
0x84: {  	_ =	shalt  }
0x85: {  	_ =	shalt  }
0x86: {  	_ =	shalt  }
0x87: {  	_ =	shalt  }
.Lfunc_end0:
.L_simem_size_0:
called_computation_lowered:
.L_overlay_start_0:
0x88: {  	s2 =	sld [smem:$0x3FD9]  }
0x89: {  	s3 =	sld [smem:$0x3FFE];
	_ =	sdelay $0x1  }
0x8a: {  	s1 =	srdreg.scid  }
0x8b: {  	s0 =	sand.u32 $0x1, s1  }
0x8c: {  	s17 =	sshll.u32 s0, $0xA;
	s2 =	sadd.s32 s3, s2  }
0x8d: {  	s2 =	sadd.s32 s2, s17  }
0x8e: {  	[smem:$0x3FC6] =	sst s2  }
0x8f: {  	_ = 	snop  }
0x90: {  	s2 =	sld [smem:$0x3FC9]  }
0x91: {  	s18 =	sld [smem:$0x3FD0];
	(tm) =	ssettm $0x1  }
0x92: {  	s4 =	sld [smem:$0x3FFB];
	_ =	sdelay $0x3  }
0x93: {  	_ =	strace s4  }
0x94: {  	s4 =	sld [smem:$0x3FFC];
	_ =	sdelay $0x3  }
0x95: {  	_ =	strace s4  }
0x96: {  	s4 =	sld [smem:$0x3FFD];
	_ =	sdelay $0x3  }
0x97: {  	_ =	strace s4  }
0x98: {  	_ =	strace $0x8FFFFFFF  }
0x99: {  	s19 =	sld [smem:$0x3FDB];
	_ =	sdelay $0x1  }
0x9a: {  	s5 =	simm.s32 $_scs_section_size  }
0x9b: {  	s6 =	simm.s32 $_size__tile_overlayer_lowered;
	s7 =	simm.s32 $_tile_overlayer_lowered  }
0x9c: {  	s22 =	simm.s32 $0x1BFF;
	s21 =	sshll.u32 s7, $0x1;
	s4 =	sadd.s32 s5, s19  }
0x9d: {  	s8 =	simm.s32 $0x0;
	s20 =	sshll.u32 s6, $0x1;
	s6 =	sadd.s32 s21, s4  }
0x9e: {  	[timem:s8], [sflag:s22] =	dma.local [hbm:s6], s20  }
0x9f: {  	_ =	swait.ge [sflag:s22], s20  }
0xa0: {  	s5 =	ssub.s32 $0x0, s20;
	[sflag:s22] =	ssyncset.done $0x0  }
0xa1: {  	[sflag:s22] =	ssyncadd.s32 s5;
	_ =	sdelay $0x1  }
0xa2: {  	s23 =	simm.s32 $0x1B8B  }
0xa3: {  	_ =	swait.ge [sflag:s23], $0x1  }
0xa4: {  	[sflag:s23] =	ssyncset.done $0x0  }
0xa5: {  	s25 =	simm.s32 $0x1B8E;
	s24 =	sld [smem:$0x3FFE];
	[sflag:s23] =	ssyncadd.s32 $0xFFFFFFFF  }
0xa6: {  	s26 =	simm.s32 $execute0_lowered;
	[smem:$0x3FD2] =	sst s25  }
0xa7: {  	s6 =	sshll.u32 s26, $0x1;
	_ =	strace $0x80000046;
	[dreg:$0x1] =	wrdreg $0xFFFFFFFF  }
0xa8: {  	s28 =	simm.s32 $_size_execute0_lowered;
	s4 =	sadd.s32 s4, s6;
	[dreg:$0x0] =	wrdreg $0x0  }
0xa9: {  	s6 =	sshll.u32 s28, $0x1;
	[dreg:$0x2] =	wrdreg s4  }
0xaa: {  	[dreg:$0x3] =	wrdreg s6  }
0xab: {  	[dreg:$0x4] =	wrdreg $0xC0  }
0xac: {  	_ =	task [dreg:s8], $0x5FFFF  }
0xad: {  	[dreg:$0x1] =	wrdreg $0xFFFFFFFF  }
0xae: {  	[dreg:$0x0] =	wrdreg $0x60  }
0xaf: {  	[dreg:$0x2] =	wrdreg s2  }
0xb0: {  	[dreg:$0x3] =	wrdreg s24  }
0xb1: {  	[dreg:$0x4] =	wrdreg s18  }
0xb2: {  	[dreg:$0x5] =	wrdreg $0x9  }
0xb3: {  	_ =	task.clear_ibuf [dreg:s8], $0x6FFFF;
	_ =	strace $0x90000046  }
0xb4: {  	s29 =	simm.s32 $0x9;
	_ =	strace $0x80000048  }
0xb5: {  	_ =	swait.ge [sflag:s29], $0x1  }
0xb6: {  	[sflag:s29] =	ssyncadd.s32 $0xFFFFFFFF  }
0xb7: {  	_ =	strace $0x90000048  }
0xb8: {  	_ =	sfence  }
0xb9: {  	s30 =	sld [smem:$0x0];
	_ =	sdelay $0x2  }
0xba: {  	s31 =	sshll.u32 s1, $0xD;
	s1 =	sshrl.u32 s1, $0x2  }
0xbb: {  	s3 =	sand.u32 $0x4000, s31;
	s1 =	sadd.s32 s1, s30  }
0xbc: {  	s0 =	sor.u32 s3, s0;
	s1 =	sshll.u32 s1, $0x11  }
0xbd: {  	s0 =	sor.u32 s1, s0  }
0xbe: {  	s0 =	sadd.s32 $0x8F2B, s0  }
0xbf: {  	[sflag:s0] =	ssyncadd.remote.s32 $0x1  }
0xc0: {  	_ =	sfence.sel $0xFFFF  }
0xc1: {  	[dreg:$0x0] =	wrdreg $0xFFFFFFFF;
	(pc) =	sbr.abs _section_cstart, $3  }
0xc2: {  	[dreg:$0x1] =	wrdreg $0xFFFFFFFF  }
0xc3: {  	_ =	task.clear_ibuf [dreg:s8], $0x2FFFF;
	_ =	strace $0x9FFFFFFF  }
0xc4: {  	(tm) =	ssettm $0x7FFFFFFF  }
0xc5: {  	_ =	shalt  }
tec
execute0_lowered:
.L_overlay_start_1:
0x0: {  	(tag) =	ssettag $0x1  }
0x1: {  	s0 =	rddreg [dreg:$0x0]  }
0x2: {  	s1 =	srdreg.scid;
	s3 =	rddreg [dreg:$0x1]  }
0x3: {  	s11 =	stileid.u32;
	s9 =	rddreg [dreg:$0x2]  }
0x4: {  	s24 =	simm.s32 $0x0;
	s12 =	simm.s32 $0x3;
	s13 =	simm.s32 $0x80  }
0x5: {  	s14 =	simm.s32 $0x6400;
	s15 =	simm.s32 $0x8400;
	s17 =	simm.s32 $0xA400  }
0x6: {  	s19 =	simm.s32 $0xC400;
	s21 =	simm.s32 $0xE400;
	s23 =	simm.s32 $0x10400  }
0x7: {  	s28 =	simm.s32 $0x14400;
	s30 =	simm.s32 $0x16400;
	s16 =	simm.s32 $0x40  }
0x8: {  	s18 =	simm.s32 $0x2;
	s20 =	simm.s32 $0x0;
	s8 =	smul.u32 $0x190, s11  }
0x9: {  	s1 =	sand.u32 $0x1, s1;
	s2 =	sshll.u32 s11, $0x1;
	s26 =	smul.u32 $0xC8000, s11  }
0xa: {  	[smem:$0x7FF] =	sst s24;
	s3 =	sadd.s32 $0x400, s3;
	s10 =	smul.u32 $0xC8, s1  }
0xb: {  	s4 =	sor.u32 s1, s2;
	s6 =	ssub.s32 $0x2, s1;
	s1 =	smul.u32 $0x64000, s1  }
0xc: {  	_ =	strace $0x80000047;
	s5 =	smul.u32 $0xC80, s4;
	s25 =	sshrl.u32 s6, $0x1  }
0xd: {  	s7 =	smul.u32 $0x64000, s4;
	s6 =	ssub.s32 s6, s25;
	s8 =	sadd.s32 s10, s8  }
0xe: {  	s25 =	simm.s32 $0x12400;
	s4 =	sadd.s32 s0, s5;
	s5 =	smax.u32 s6, $0x1  }
0xf: {  	s6 =	sadd.s32 s9, s7;
	s0 =	sadd.s32 s26, s9;
	s10 =	sshll.u32 s8, $0xB  }
0x10: {  	s7 =	sadd.s32 $0x2800, s6;
	s8 =	sadd.s32 $0x5F000, s6;
	s0 =	sadd.s32 s1, s0  }
0x11: {  	s31 =	sadd.s32 s9, s10;
	s9 =	sadd.s32 $0x61800, s6;
	s1 =	simm.s32 $0x18400  }
0x12: {  	s10 =	sadd.s32 $0x5000, s0;
	s29 =	sadd.s32 $0x7800, s31;
	s0 =	simm.s32 $0x1  }
.LBB2_1:
0x13: {  	s2 =	simm.s32 $0x0  }
0x14: {  	[tilespmem:s2], [sflag:$0x3] =	stream.linear.gather [hbm4b:s4+s2], $0x6400, $0x38;
	[tilespmem:$0x1A400] =	vst v63  }
0x15: {  	_ =	swait.ge [sflag:s12], $0x6400  }
0x16: {  	[sflag:s12] =	ssyncset.done $0x0  }
0x17: {  	[sflag:s12] =	ssyncadd.s32 $0xFFFF9C00  }
0x18: {  	[tilespmem:s14], [sflag:$0x1] =	stream.indirect.gather [hbm4b:s3+s13], $0x40, s2, s13, $0xb8;
	[tilespmem:$0x1A400] =	vst v63  }
0x19: {  	_ = 	snop  }
0x1a: {  	[tilespmem:s15], [sflag:$0x1] =	stream.indirect.gather [hbm4b:s3+s13], $0x40, s13, s13, $0xb8;
	[tilespmem:$0x1A400] =	vst v63  }
0x1b: {  	s26 =	simm.s32 $0x100  }
0x1c: {  	[tilespmem:s17], [sflag:$0x1] =	stream.indirect.gather [hbm4b:s3+s13], $0x40, s26, s13, $0xb8;
	[tilespmem:$0x1A400] =	vst v63  }
0x1d: {  	s31 =	simm.s32 $0x180  }
0x1e: {  	[tilespmem:s19], [sflag:$0x1] =	stream.indirect.gather [hbm4b:s3+s13], $0x40, s31, s13, $0xb8;
	[tilespmem:$0x1A400] =	vst v63  }
0x1f: {  	s11 =	simm.s32 $0x200  }
0x20: {  	[tilespmem:s21], [sflag:$0x1] =	stream.indirect.gather [hbm4b:s3+s13], $0x40, s11, s13, $0xb8;
	[tilespmem:$0x1A400] =	vst v63  }
0x21: {  	s22 =	simm.s32 $0x280  }
0x22: {  	[tilespmem:s23], [sflag:$0x1] =	stream.indirect.gather [hbm4b:s3+s13], $0x40, s22, s13, $0xb8;
	[tilespmem:$0x1A400] =	vst v63  }
0x23: {  	s24 =	simm.s32 $0x300  }
0x24: {  	[tilespmem:s25], [sflag:$0x1] =	stream.indirect.gather [hbm4b:s3+s13], $0x40, s24, s13, $0xb8;
	[tilespmem:$0x1A400] =	vst v63  }
0x25: {  	s26 =	simm.s32 $0x380  }
0x26: {  	[tilespmem:s28], [sflag:$0x1] =	stream.indirect.gather [hbm4b:s3+s13], $0x40, s26, s13, $0xb8;
	[tilespmem:$0x1A400] =	vst v63  }
0x27: {  	s31 =	simm.s32 $0x400  }
0x28: {  	[tilespmem:s30], [sflag:$0x1] =	stream.indirect.gather [hbm4b:s3+s13], $0x40, s31, s13, $0xb8;
	[tilespmem:$0x1A400] =	vst v63  }
0x29: {  	s11 =	simm.s32 $0x480  }
0x2a: {  	[tilespmem:s1], [sflag:$0x1] =	stream.indirect.gather [hbm4b:s3+s13], $0x40, s11, s13, $0xb8;
	[tilespmem:$0x1A400] =	vst v63  }
0x2b: {  	_ =	swait.ge [sflag:s0], $0xA000  }
0x2c: {  	[sflag:s0] =	ssyncset.done $0x0  }
0x2d: {  	[sflag:s0] =	ssyncadd.s32 $0xFFFF6000  }
0x2e: {  	[hbm4b:s6+s16] =	stream.strided.scatter [tilespmem:s14], [sflag:$0x2], $0xA000, s13, s16, $0x38;
	[tilespmem:$0x1A400] =	vst v63  }
0x2f: {  	_ =	swait.ge [sflag:s18], $0xA000  }
0x30: {  	[sflag:s18] =	ssyncset.done $0x0  }
0x31: {  	s22 =	simm.s32 $0x500;
	[sflag:s18] =	ssyncadd.s32 $0xFFFF6000  }
0x32: {  	[tilespmem:s14], [sflag:$0x1] =	stream.indirect.gather [hbm4b:s3+s13], $0x40, s22, s13, $0xb8;
	[tilespmem:$0x1A400] =	vst v63  }
0x33: {  	s24 =	simm.s32 $0x580  }
0x34: {  	[tilespmem:s15], [sflag:$0x1] =	stream.indirect.gather [hbm4b:s3+s13], $0x40, s24, s13, $0xb8;
	[tilespmem:$0x1A400] =	vst v63  }
0x35: {  	s26 =	simm.s32 $0x600  }
0x36: {  	[tilespmem:s17], [sflag:$0x1] =	stream.indirect.gather [hbm4b:s3+s13], $0x40, s26, s13, $0xb8;
	[tilespmem:$0x1A400] =	vst v63  }
0x37: {  	s31 =	simm.s32 $0x680  }
0x38: {  	[tilespmem:s19], [sflag:$0x1] =	stream.indirect.gather [hbm4b:s3+s13], $0x40, s31, s13, $0xb8;
	[tilespmem:$0x1A400] =	vst v63  }
0x39: {  	s11 =	simm.s32 $0x700  }
0x3a: {  	[tilespmem:s21], [sflag:$0x1] =	stream.indirect.gather [hbm4b:s3+s13], $0x40, s11, s13, $0xb8;
	[tilespmem:$0x1A400] =	vst v63  }
0x3b: {  	_ =	swait.ge [sflag:s0], $0xA000  }
0x3c: {  	[sflag:s0] =	ssyncset.done $0x0  }
0x3d: {  	[sflag:s0] =	ssyncadd.s32 $0xFFFF6000  }
0x3e: {  	[hbm4b:s7+s16] =	stream.strided.scatter [tilespmem:s23], [sflag:$0x2], $0xA000, s13, s16, $0x38;
	[tilespmem:$0x1A400] =	vst v63  }
0x3f: {  	_ =	swait.ge [sflag:s18], $0xA000  }
0x40: {  	[sflag:s18] =	ssyncset.done $0x0  }
0x41: {  	s11 =	simm.s32 $0x780;
	[sflag:s18] =	ssyncadd.s32 $0xFFFF6000  }
0x42: {  	[tilespmem:s23], [sflag:$0x1] =	stream.indirect.gather [hbm4b:s3+s13], $0x40, s11, s13, $0xb8;
	[tilespmem:$0x1A400] =	vst v63  }
0x43: {  	s22 =	simm.s32 $0x800  }
0x44: {  	[tilespmem:s25], [sflag:$0x1] =	stream.indirect.gather [hbm4b:s3+s13], $0x40, s22, s13, $0xb8;
	[tilespmem:$0x1A400] =	vst v63  }
0x45: {  	s24 =	simm.s32 $0x880  }
0x46: {  	[tilespmem:s28], [sflag:$0x1] =	stream.indirect.gather [hbm4b:s3+s13], $0x40, s24, s13, $0xb8;
	[tilespmem:$0x1A400] =	vst v63  }
0x47: {  	s26 =	simm.s32 $0x900  }
0x48: {  	[tilespmem:s30], [sflag:$0x1] =	stream.indirect.gather [hbm4b:s3+s13], $0x40, s26, s13, $0xb8;
	[tilespmem:$0x1A400] =	vst v63  }
0x49: {  	s31 =	simm.s32 $0x980  }
0x4a: {  	[tilespmem:s1], [sflag:$0x1] =	stream.indirect.gather [hbm4b:s3+s13], $0x40, s31, s13, $0xb8;
	[tilespmem:$0x1A400] =	vst v63  }
0x4b: {  	_ =	swait.ge [sflag:s0], $0xA000  }
0x4c: {  	[sflag:s0] =	ssyncset.done $0x0  }
0x4d: {  	[sflag:s0] =	ssyncadd.s32 $0xFFFF6000  }
0x4e: {  	[hbm4b:s10+s16] =	stream.strided.scatter [tilespmem:s14], [sflag:$0x2], $0xA000, s13, s16, $0x38;
	[tilespmem:$0x1A400] =	vst v63  }
0x4f: {  	_ =	swait.ge [sflag:s18], $0xA000  }
0x50: {  	[sflag:s18] =	ssyncset.done $0x0  }
0x51: {  	s2 =	simm.s32 $0xA00;
	[sflag:s18] =	ssyncadd.s32 $0xFFFF6000  }
0x52: {  	[tilespmem:s14], [sflag:$0x1] =	stream.indirect.gather [hbm4b:s3+s13], $0x40, s2, s13, $0xb8;
	[tilespmem:$0x1A400] =	vst v63  }
0x53: {  	s22 =	simm.s32 $0xA80  }
0x54: {  	[tilespmem:s15], [sflag:$0x1] =	stream.indirect.gather [hbm4b:s3+s13], $0x40, s22, s13, $0xb8;
	[tilespmem:$0x1A400] =	vst v63  }
0x55: {  	s24 =	simm.s32 $0xB00  }
0x56: {  	[tilespmem:s17], [sflag:$0x1] =	stream.indirect.gather [hbm4b:s3+s13], $0x40, s24, s13, $0xb8;
	[tilespmem:$0x1A400] =	vst v63  }
0x57: {  	s26 =	simm.s32 $0xB80  }
0x58: {  	[tilespmem:s19], [sflag:$0x1] =	stream.indirect.gather [hbm4b:s3+s13], $0x40, s26, s13, $0xb8;
	[tilespmem:$0x1A400] =	vst v63  }
0x59: {  	s31 =	simm.s32 $0xC00  }
0x5a: {  	[tilespmem:s21], [sflag:$0x1] =	stream.indirect.gather [hbm4b:s3+s13], $0x40, s31, s13, $0xb8;
	[tilespmem:$0x1A400] =	vst v63  }
0x5b: {  	_ =	swait.ge [sflag:s0], $0xA000  }
0x5c: {  	s11 =	smov.u32 s29;
	s22 =	simm.s32 $0x1400;
	[sflag:s0] =	ssyncset.done $0x0  }
0x5d: {  	s24 =	sadd.s32 $0x5000, s10;
	s26 =	sadd.s32 $0x5000, s29;
	[sflag:s0] =	ssyncadd.s32 $0xFFFF6000  }
.LBB2_2:
0x5e: {  	[hbm4b:s11+s16] =	stream.strided.scatter [tilespmem:s23], [sflag:$0x2], $0xA000, s13, s16, $0x38;
	[tilespmem:$0x1A400] =	vst v63  }
0x5f: {  	s11 =	smov.u32 s22;
	s22 =	sadd.s32 $0x1400, s22;
	_ =	swait.ge [sflag:s18], $0xA000  }
0x60: {  	s31 =	sshra.s32 s11, $0x2;
	p0 =	sne.s32 s22, $0x16800;
	[sflag:s18] =	ssyncset.done $0x0  }
0x61: {  	s11 =	smov.u32 s26;
	s2 =	sadd.s32 $0x780, s31;
	[sflag:s18] =	ssyncadd.s32 $0xFFFF6000  }
0x62: {  	[tilespmem:s23], [sflag:$0x1] =	stream.indirect.gather [hbm4b:s3+s13], $0x40, s2, s13, $0xb8;
	[tilespmem:$0x1A400] =	vst v63  }
0x63: {  	s2 =	sadd.s32 $0x800, s31  }
0x64: {  	[tilespmem:s25], [sflag:$0x1] =	stream.indirect.gather [hbm4b:s3+s13], $0x40, s2, s13, $0xb8;
	[tilespmem:$0x1A400] =	vst v63  }
0x65: {  	s2 =	sadd.s32 $0x880, s31  }
0x66: {  	[tilespmem:s28], [sflag:$0x1] =	stream.indirect.gather [hbm4b:s3+s13], $0x40, s2, s13, $0xb8;
	[tilespmem:$0x1A400] =	vst v63  }
0x67: {  	s2 =	sadd.s32 $0x900, s31  }
0x68: {  	[tilespmem:s30], [sflag:$0x1] =	stream.indirect.gather [hbm4b:s3+s13], $0x40, s2, s13, $0xb8;
	[tilespmem:$0x1A400] =	vst v63  }
0x69: {  	s2 =	sadd.s32 $0x980, s31  }
0x6a: {  	[tilespmem:s1], [sflag:$0x1] =	stream.indirect.gather [hbm4b:s3+s13], $0x40, s2, s13, $0xb8;
	[tilespmem:$0x1A400] =	vst v63  }
0x6b: {  	_ =	swait.ge [sflag:s0], $0xA000  }
0x6c: {  	[sflag:s0] =	ssyncset.done $0x0  }
0x6d: {  	[sflag:s0] =	ssyncadd.s32 $0xFFFF6000  }
0x6e: {  	[hbm4b:s24+s16] =	stream.strided.scatter [tilespmem:s14], [sflag:$0x2], $0xA000, s13, s16, $0x38;
	[tilespmem:$0x1A400] =	vst v63  }
0x6f: {  	_ =	swait.ge [sflag:s18], $0xA000  }
0x70: {  	[sflag:s18] =	ssyncset.done $0x0  }
0x71: {  	s2 =	sadd.s32 $0xA00, s31;
	[sflag:s18] =	ssyncadd.s32 $0xFFFF6000  }
0x72: {  	[tilespmem:s14], [sflag:$0x1] =	stream.indirect.gather [hbm4b:s3+s13], $0x40, s2, s13, $0xb8;
	[tilespmem:$0x1A400] =	vst v63  }
0x73: {  	s2 =	sadd.s32 $0xA80, s31  }
0x74: {  	[tilespmem:s15], [sflag:$0x1] =	stream.indirect.gather [hbm4b:s3+s13], $0x40, s2, s13, $0xb8;
	[tilespmem:$0x1A400] =	vst v63  }
0x75: {  	s2 =	sadd.s32 $0xB00, s31  }
0x76: {  	[tilespmem:s17], [sflag:$0x1] =	stream.indirect.gather [hbm4b:s3+s13], $0x40, s2, s13, $0xb8;
	[tilespmem:$0x1A400] =	vst v63  }
0x77: {  	s2 =	sadd.s32 $0xB80, s31  }
0x78: {  	[tilespmem:s19], [sflag:$0x1] =	stream.indirect.gather [hbm4b:s3+s13], $0x40, s2, s13, $0xb8;
	[tilespmem:$0x1A400] =	vst v63  }
.Ltmp0:
0x79: {  	s2 =	sadd.s32 $0xC00, s31;
	(pc) =	sbr.rel @p0 .LBB2_2-.Ltmp0, $4  }
0x7a: {  	[tilespmem:s21], [sflag:$0x1] =	stream.indirect.gather [hbm4b:s3+s13], $0x40, s2, s13, $0xb8;
	[tilespmem:$0x1A400] =	vst v63  }
0x7b: {  	_ =	swait.ge [sflag:s0], $0xA000  }
0x7c: {  	[sflag:s0] =	ssyncset.done $0x0  }
0x7d: {  	s26 =	sadd.s32 $0x5000, s26;
	s24 =	sadd.s32 $0x5000, s24;
	[sflag:s0] =	ssyncadd.s32 $0xFFFF6000  }
0x7e: {  	[hbm4b:s11+s16] =	stream.strided.scatter [tilespmem:s23], [sflag:$0x2], $0xA000, s13, s16, $0x38;
	[tilespmem:$0x1A400] =	vst v63  }
0x7f: {  	_ =	swait.ge [sflag:s18], $0xA000  }
0x80: {  	[sflag:s18] =	ssyncset.done $0x0  }
0x81: {  	s2 =	simm.s32 $0x6180;
	s22 =	sshra.s32 s22, $0x2;
	[sflag:s18] =	ssyncadd.s32 $0xFFFF6000  }
0x82: {  	[tilespmem:s23], [sflag:$0x1] =	stream.indirect.gather [hbm4b:s3+s13], $0x40, s2, s13, $0xb8;
	[tilespmem:$0x1A400] =	vst v63  }
0x83: {  	s24 =	sadd.s32 $0x800, s22  }
0x84: {  	[tilespmem:s25], [sflag:$0x1] =	stream.indirect.gather [hbm4b:s3+s13], $0x40, s24, s13, $0xb8;
	[tilespmem:$0x1A400] =	vst v63  }
0x85: {  	s26 =	sadd.s32 $0x880, s22  }
0x86: {  	[tilespmem:s28], [sflag:$0x1] =	stream.indirect.gather [hbm4b:s3+s13], $0x40, s26, s13, $0xb8;
	[tilespmem:$0x1A400] =	vst v63  }
0x87: {  	s31 =	sadd.s32 $0x900, s22  }
0x88: {  	[tilespmem:s30], [sflag:$0x1] =	stream.indirect.gather [hbm4b:s3+s13], $0x40, s31, s13, $0xb8;
	[tilespmem:$0x1A400] =	vst v63  }
0x89: {  	s2 =	sadd.s32 $0x980, s22  }
0x8a: {  	[tilespmem:s1], [sflag:$0x1] =	stream.indirect.gather [hbm4b:s3+s13], $0x40, s2, s13, $0xb8;
	[tilespmem:$0x1A400] =	vst v63  }
0x8b: {  	_ =	swait.ge [sflag:s0], $0xA000  }
0x8c: {  	[sflag:s0] =	ssyncset.done $0x0  }
0x8d: {  	[sflag:s0] =	ssyncadd.s32 $0xFFFF6000  }
0x8e: {  	[hbm4b:s8+s16] =	stream.strided.scatter [tilespmem:s14], [sflag:$0x2], $0xA000, s13, s16, $0x38;
	[tilespmem:$0x1A400] =	vst v63  }
0x8f: {  	_ =	swait.ge [sflag:s18], $0xA000  }
0x90: {  	[sflag:s18] =	ssyncset.done $0x0  }
0x91: {  	[sflag:s18] =	ssyncadd.s32 $0xFFFF6000  }
0x92: {  	s20 =	sadd.s32 $0x1, s20;
	_ =	swait.ge [sflag:s0], $0xA000  }
0x93: {  	p0 =	sne.s32 s20, s5;
	[sflag:s0] =	ssyncset.done $0x0  }
.Ltmp1:
0x94: {  	[sflag:s0] =	ssyncadd.s32 $0xFFFF6000;
	(pc) =	sbr.rel @p0 .LBB2_1-.Ltmp1, $4  }
0x95: {  	[hbm4b:s9+s16] =	stream.strided.scatter [tilespmem:s23], [sflag:$0x2], $0xA000, s13, s16, $0x38;
	[tilespmem:$0x1A400] =	vst v63  }
0x96: {  	_ =	swait.ge [sflag:s18], $0xA000  }
0x97: {  	[sflag:s18] =	ssyncset.done $0x0  }
0x98: {  	[sflag:s18] =	ssyncadd.s32 $0xFFFF6000  }
0x99: {  	_ =	sfence.sel $0x180000  }
0x9a: {  	[bflag:$0x0] =	sbarrier.arrive $0xFFFF  }
0x9b: {  	_ =	strace $0x90000047  }
0x9c: {  	s0 =	stileid.u32;
	[bflag:$0x2] =	sbarrier.arrive $0xFFFF  }
0x9d: {  	p0 =	sne.s32 s0, $0x0;
	s0 =	rddreg [dreg:$0x3]  }
0x9e: {  	s0 =	sadd.s32 @!p0 $0x100000, s0  }
0x9f: {  	[sflag:s0] =	ssyncadd.tile.s32 @!p0 $0x1;
	_ =	shalt  }
.Lfunc_end2:
_tile_overlayer_lowered:
.L_overlay_start_2:
0xa0: {  	(tag) =	ssettag $0x2  }
0xa1: {  	s0 =	rddreg [dreg:$0x0];
	s2 =	stileid.u32  }
0xa2: {  	s1 =	rddreg [dreg:$0x1];
	p0 =	sne.s32 s2, $0x0  }
0xa3: {  	s3 =	rddreg [dreg:$0x2];
	[bflag:$0x3] =	sbarrier.arrive $0xFFFF;
	s2 =	simm.s32 @!p0 $0x1C03  }
0xa4: {  	[timem:s3], [sflag:s2] =	dma.local @!p0 [hbm:s0], s1  }
0xa5: {  	s0 =	simm.s32 @!p0 $0x3  }
0xa6: {  	_ =	swait.ge @!p0 [sflag:s0], s1  }
0xa7: {  	s1 =	ssub.s32 @!p0 $0x0, s1;
	[sflag:s0] =	ssyncset.done @!p0 $0x0  }
0xa8: {  	[sflag:s0] =	ssyncadd.s32 @!p0 s1  }
0xa9: {  	[bflag:$0x3] =	sbarrier.arrive $0xFFFF  }
0xaa: {  	_ =	shalt  }

</sc_bundles>
